<compile_context>
chip_gen: v7x
topology: tpu7x:2x2x1
jax: 0.10.2.dev20260603
libtpu: 0.0.44.dev20260713+nightly
codegen_flags: <defaults>
</compile_context>

<pallas_src>
import functools

import jax
import jax.numpy as jnp
from jax import lax
from jax.experimental import pallas as pl
from jax.experimental.pallas import tpu as pltpu
from jax.experimental.pallas import tpu_sc as plsc

_NC = 2
_NS = 16
_NW = _NC * _NS

_CHUNK = 128
_NBUF = 4

_PAD_BLK = 8000


_PAD_NB = 6


def _pad_body(t_ref, o_hbm, bufs, sems):
    i = pl.program_id(0)

    def out_copy(buf, step):
        return pltpu.make_async_copy(
            bufs.at[buf],
            o_hbm.at[pl.ds(step * _PAD_BLK, _PAD_BLK), :],
            sems.at[buf])

    @pl.when(i >= _PAD_NB)
    def _():
        out_copy(i % _PAD_NB, i - _PAD_NB).wait()

    bufs[i % _PAD_NB, :, :96] = t_ref[...]
    out_copy(i % _PAD_NB, i).start()

    @pl.when(i == _PAD_GRID - 1)
    def _():
        for c in range(_PAD_GRID - _PAD_NB, _PAD_GRID):
            out_copy(c % _PAD_NB, c).wait()


_PAD_GRID = 125


def _tc_pad_table(table):
    v, d = table.shape
    return pl.pallas_call(
        _pad_body,
        grid=(_PAD_GRID,),
        in_specs=[pl.BlockSpec((_PAD_BLK, d), lambda i: (i, 0))],
        out_specs=pl.BlockSpec(memory_space=pl.ANY),
        out_shape=jax.ShapeDtypeStruct((v, 128), jnp.float32),
        scratch_shapes=[pltpu.VMEM((_PAD_NB, _PAD_BLK, 128), jnp.float32),
                        pltpu.SemaphoreType.DMA((_PAD_NB,))],
    )(table)


def _sc_gather(table_p, idx_flat):
    n = idx_flat.shape[0]
    d = table_p.shape[1]
    per_w = n // _NW
    nch = per_w // _CHUNK
    assert per_w % _CHUNK == 0 and nch % _NBUF == 0

    mesh = plsc.VectorSubcoreMesh(core_axis_name="c", subcore_axis_name="s")

    @functools.partial(
        pl.kernel,
        out_type=jax.ShapeDtypeStruct((n, d), jnp.float32),
        mesh=mesh,
        scratch_types=[
            pltpu.VMEM((_NBUF, _CHUNK), jnp.int32),
            pltpu.VMEM((_NBUF, _CHUNK, d), jnp.float32),
        ] + [pltpu.SemaphoreType.DMA] * _NBUF,
    )
    def gather_kernel(table_hbm, idx_hbm, out_hbm, idx_v, rows_v, *sems):
        wid = lax.axis_index("s") * _NC + lax.axis_index("c")
        base = wid * per_w

        def load_idx(b, j):
            pltpu.sync_copy(idx_hbm.at[pl.ds(base + j * _CHUNK, _CHUNK)],
                            idx_v.at[b])

        def start_gather(b):
            pltpu.async_copy(table_hbm.at[idx_v.at[b]], rows_v.at[b], sems[b])

        def wait_gather(b):
            pltpu.make_async_copy(table_hbm.at[idx_v.at[b]], rows_v.at[b],
                                  sems[b]).wait()

        def store_rows(b, j):
            pltpu.sync_copy(rows_v.at[b],
                            out_hbm.at[pl.ds(base + j * _CHUNK, _CHUNK)])

        for b in range(_NBUF):
            load_idx(b, b)
            start_gather(b)

        @pl.loop(0, nch - _NBUF, step=_NBUF)
        def _(j0):
            for b in range(_NBUF):
                j = j0 + b
                wait_gather(b)
                store_rows(b, j)
                load_idx(b, j + _NBUF)
                start_gather(b)

        for b in range(_NBUF):
            wait_gather(b)
            store_rows(b, nch - _NBUF + b)

    return gather_kernel(table_p, idx_flat)


_BLK = 4096


def _mlp_body(g_ref, pos_ref, w1_ref, b1_ref, w2_ref, b2_ref, o_ref):
    h = (g_ref[:, :96] + pos_ref[...]).astype(jnp.bfloat16)
    h1 = jnp.dot(h, w1_ref[...], preferred_element_type=jnp.float32)
    h1 = jnp.maximum(h1 + b1_ref[...], 0.0).astype(jnp.bfloat16)
    o = jnp.dot(h1, w2_ref[...], preferred_element_type=jnp.float32)
    o_ref[...] = o + b2_ref[...]


def _tc_mlp(g, pos_rep, w1, b1, w2, b2):
    n, dp = g.shape
    d = w2.shape[1]
    inner = w1.shape[1]
    grid = (n // _BLK,)
    return pl.pallas_call(
        _mlp_body,
        grid=grid,
        in_specs=[
            pl.BlockSpec((_BLK, dp), lambda i: (i, 0)),
            pl.BlockSpec((_BLK, 96), lambda i: (0, 0)),
            pl.BlockSpec((96, inner), lambda i: (0, 0)),
            pl.BlockSpec((1, inner), lambda i: (0, 0)),
            pl.BlockSpec((inner, d), lambda i: (0, 0)),
            pl.BlockSpec((1, d), lambda i: (0, 0)),
        ],
        out_specs=pl.BlockSpec((_BLK, d), lambda i: (i, 0)),
        out_shape=jax.ShapeDtypeStruct((n, d), jnp.float32),
        compiler_params=pltpu.CompilerParams(
            dimension_semantics=("parallel",)),
    )(g, pos_rep, w1, b1, w2, b2)


def kernel(x, ks_table, pos_table, W1, b1, W2, b2):
    batch, seq = x.shape
    d = ks_table.shape[1]
    n = batch * seq
    idx_flat = x.reshape(n).astype(jnp.int32)
    table_p = _tc_pad_table(ks_table)
    g = _sc_gather(table_p, idx_flat)
    pos_rep = jnp.tile(pos_table, (_BLK // seq, 1))
    w1_p = W1.astype(jnp.bfloat16)
    y = _tc_mlp(g, pos_rep, w1_p, b1.reshape(1, -1),
                W2.astype(jnp.bfloat16), b2.reshape(1, -1))
    return y.reshape(batch, seq, d)

# --- scband reference (transcript-rebuilt; emitter-appended) ---
"""Pipeline reference for scband-condition-embedding-2869038153906 (READ-ONLY COPY).

The authoritative reference and input builder live on the scoring server;
editing this copy changes nothing except your own understanding.
"""

import jax, jax.numpy as jnp
import numpy as np

VOCAB_SIZE = 1000000
BLOCK_SIZE = 16
EMBED_DIM = 96
INNER_DIM = 384
BATCH = 16384
SEQ = 16

def setup_inputs(seed: int = 0) -> dict:
    key = jax.random.key(seed)
    k1, k2, k3, k4, k5, k6, k7 = jax.random.split(key, 7)
    x = jax.random.randint(k1, (BATCH, SEQ), 0, VOCAB_SIZE, dtype=jnp.int64) if jax.config.jax_enable_x64 else jax.random.randint(k1, (BATCH, SEQ), 0, VOCAB_SIZE, dtype=jnp.int32)
    ks_table = jax.random.normal(k2, (VOCAB_SIZE, EMBED_DIM), dtype=jnp.float32) * 0.02
    pos_table = jax.random.normal(k3, (BLOCK_SIZE, EMBED_DIM), dtype=jnp.float32) * 0.02
    W1 = jax.random.normal(k4, (EMBED_DIM, INNER_DIM), dtype=jnp.float32) * 0.05
    b1 = jnp.zeros((INNER_DIM,), dtype=jnp.float32)
    W2 = jax.random.normal(k5, (INNER_DIM, EMBED_DIM), dtype=jnp.float32) * 0.05
    b2 = jnp.zeros((EMBED_DIM,), dtype=jnp.float32)
    return {"x": x, "ks_table": ks_table, "pos_table": pos_table, "W1": W1, "b1": b1, "W2": W2, "b2": b2}

def reference(x, ks_table, pos_table, W1, b1, W2, b2):
    batch_dim, time_dim = x.shape
    # embedding lookup for condition tokens
    ks_embd = jnp.take(ks_table, x, axis=0)  # [B, T, D]
    # positional embedding lookup
    pos_ids = jnp.arange(time_dim)
    pos_embd = jnp.take(pos_table, pos_ids, axis=0)  # [T, D]
    h = ks_embd + pos_embd[None, :, :]
    # FFN: Linear -> ReLU -> Linear -> Dropout (eval mode, identity)
    h = jnp.dot(h, W1) + b1
    h = jax.nn.relu(h)
    h = jnp.dot(h, W2) + b2
    return h

if __name__ == "__main__":
    import jax
    _d = setup_inputs()
    print(jax.jit(kernel)(*tuple(_d.values())))

</pallas_src>

<mosaic_0001>
#map = affine_map<(d0, d1) -> (0, 0)>
#map1 = affine_map<(d0, d1) -> (0)>
module attributes {stable_mosaic.version = 14 : i64} {
  func.func @gather_kernel(%arg0: i32, %arg1: i32, %arg2: memref<1000000x128xf32, #tpu.memory_space<hbm>>, %arg3: memref<262144xi32, #tpu.memory_space<hbm>>, %arg4: memref<262144x128xf32, #tpu.memory_space<hbm>>, %arg5: memref<4x128xi32, #tpu.memory_space<vmem>>, %arg6: memref<4x128x128xf32, #tpu.memory_space<vmem>>, %arg7: memref<!tpu.dma_semaphore, #tpu.memory_space<semaphore_mem>>, %arg8: memref<!tpu.dma_semaphore, #tpu.memory_space<semaphore_mem>>, %arg9: memref<!tpu.dma_semaphore, #tpu.memory_space<semaphore_mem>>, %arg10: memref<!tpu.dma_semaphore, #tpu.memory_space<semaphore_mem>>) attributes {dimension_semantics = [#tpu.dimension_semantics<core_parallel>, #tpu.dimension_semantics<subcore_parallel>], iteration_bounds = array<i64: 2, 16>, scalar_prefetch = 0 : i64, scratch_operands = 6 : i64, tpu.core_type = #tpu.core_type<sc_vector_subcore>, window_params = [{transform_indices = #map}, {transform_indices = #map1}, {transform_indices = #map}]} {
    %mul3A = arith.constant 2 : i32
    %mul3A_0 = arith.muli %arg1, %mul3A : i32
    %add3A = arith.addi %mul3A_0, %arg0 : i32
    %mul3A_1 = arith.constant 8192 : i32
    %mul3A_2 = arith.muli %add3A, %mul3A_1 : i32
    %add3A_3 = arith.constant 0 : i32
    %add3A_4 = arith.addi %mul3A_2, %add3A_3 : i32
    %run_scoped3A = arith.constant 0 : i32
    "tpu.region"() ({
      %run_scoped3A_124 = tpu.sem_alloc : memref<!tpu.dma_semaphore, #tpu.memory_space<semaphore_mem>>
      %dma_start3A_125 = arith.constant 0 : i32
      %dma_start3A_126 = tpu.memref_slice %arg5[%run_scoped3A, %dma_start3A_125] : memref<4x128xi32, #tpu.memory_space<vmem>> -> memref<1x128xi32, #tpu.memory_space<vmem>>
      %dma_start3A_127 = tpu.memref_squeeze %dma_start3A_126 : memref<1x128xi32, #tpu.memory_space<vmem>> -> memref<128xi32, #tpu.memory_space<vmem>>
      %dma_start3A_128 = tpu.memref_slice %arg3[%add3A_4] : memref<262144xi32, #tpu.memory_space<hbm>> -> memref<128xi32, #tpu.memory_space<hbm>>
      %dma_start3A_129 = arith.constant 0 : i32
      %dma_start3A_130 = tpu.memref_slice %arg5[%run_scoped3A, %dma_start3A_129] : memref<4x128xi32, #tpu.memory_space<vmem>> -> memref<1x128xi32, #tpu.memory_space<vmem>>
      %dma_start3A_131 = tpu.memref_squeeze %dma_start3A_130 : memref<1x128xi32, #tpu.memory_space<vmem>> -> memref<128xi32, #tpu.memory_space<vmem>>
      %dma_start3A_132 = tpu.memref_slice %arg3[%add3A_4] : memref<262144xi32, #tpu.memory_space<hbm>> -> memref<128xi32, #tpu.memory_space<hbm>>
      tpu.enqueue_dma source(%dma_start3A_132 : memref<128xi32, #tpu.memory_space<hbm>>) target(%dma_start3A_131 : memref<128xi32, #tpu.memory_space<vmem>>) target_semaphore(%run_scoped3A_124 : memref<!tpu.dma_semaphore, #tpu.memory_space<semaphore_mem>>)
      %dma_wait3A_133 = arith.constant 0 : i32
      %dma_wait3A_134 = tpu.memref_slice %arg5[%run_scoped3A, %dma_wait3A_133] : memref<4x128xi32, #tpu.memory_space<vmem>> -> memref<1x128xi32, #tpu.memory_space<vmem>>
      %dma_wait3A_135 = tpu.memref_squeeze %dma_wait3A_134 : memref<1x128xi32, #tpu.memory_space<vmem>> -> memref<128xi32, #tpu.memory_space<vmem>>
      %dma_wait3A_136 = tpu.memref_slice %arg3[%add3A_4] : memref<262144xi32, #tpu.memory_space<hbm>> -> memref<128xi32, #tpu.memory_space<hbm>>
      %dma_wait3A_137 = arith.constant 0 : i32
      %dma_wait3A_138 = tpu.memref_slice %arg5[%run_scoped3A, %dma_wait3A_137] : memref<4x128xi32, #tpu.memory_space<vmem>> -> memref<1x128xi32, #tpu.memory_space<vmem>>
      %dma_wait3A_139 = tpu.memref_squeeze %dma_wait3A_138 : memref<1x128xi32, #tpu.memory_space<vmem>> -> memref<128xi32, #tpu.memory_space<vmem>>
      %dma_wait3A_140 = tpu.memref_slice %arg3[%add3A_4] : memref<262144xi32, #tpu.memory_space<hbm>> -> memref<128xi32, #tpu.memory_space<hbm>>
      tpu.wait_dma2 semaphore(%run_scoped3A_124 : memref<!tpu.dma_semaphore, #tpu.memory_space<semaphore_mem>>) src(%dma_wait3A_140 : memref<128xi32, #tpu.memory_space<hbm>>) dst(%dma_wait3A_139 : memref<128xi32, #tpu.memory_space<vmem>>)
      tpu.yield
    }) : () -> ()
    %dma_start3A = arith.constant 0 : i32
    %dma_start3A_5 = arith.constant 0 : i32
    %dma_start3A_6 = arith.constant 0 : i32
    %dma_start3A_7 = arith.constant 0 : i32
    %dma_start3A_8 = tpu.memref_slice %arg6[%dma_start3A_5, %dma_start3A_6, %dma_start3A_7] : memref<4x128x128xf32, #tpu.memory_space<vmem>> -> memref<1x128x128xf32, #tpu.memory_space<vmem>>
    %dma_start3A_9 = tpu.memref_squeeze %dma_start3A_8 : memref<1x128x128xf32, #tpu.memory_space<vmem>> -> memref<128x128xf32, #tpu.memory_space<vmem>>
    %dma_start3A_10 = arith.constant 0 : i32
    %dma_start3A_11 = tpu.memref_slice %arg5[%dma_start3A, %dma_start3A_10] : memref<4x128xi32, #tpu.memory_space<vmem>> -> memref<1x128xi32, #tpu.memory_space<vmem>>
    %dma_start3A_12 = tpu.memref_squeeze %dma_start3A_11 : memref<1x128xi32, #tpu.memory_space<vmem>> -> memref<128xi32, #tpu.memory_space<vmem>>
    %dma_start3A_13 = arith.constant 0 : i32
    %dma_start3A_14 = arith.constant 0 : i32
    %dma_start3A_15 = tpu.memref_slice %arg2[%dma_start3A_13, %dma_start3A_14] : memref<1000000x128xf32, #tpu.memory_space<hbm>> -> memref<1000000x128xf32, #tpu.memory_space<hbm>>
    tpu.enqueue_indirect_dma source(%dma_start3A_15 : memref<1000000x128xf32, #tpu.memory_space<hbm>>) target(%dma_start3A_9 : memref<128x128xf32, #tpu.memory_space<vmem>>) offsets(%dma_start3A_12 : memref<128xi32, #tpu.memory_space<vmem>>) semaphore(%arg7 : memref<!tpu.dma_semaphore, #tpu.memory_space<semaphore_mem>>)
    %add3A_16 = arith.constant 128 : i32
    %add3A_17 = arith.addi %mul3A_2, %add3A_16 : i32
    %run_scoped3A_18 = arith.constant 1 : i32
    "tpu.region"() ({
      %run_scoped3A_124 = tpu.sem_alloc : memref<!tpu.dma_semaphore, #tpu.memory_space<semaphore_mem>>
      %dma_start3A_125 = arith.constant 0 : i32
      %dma_start3A_126 = tpu.memref_slice %arg5[%run_scoped3A_18, %dma_start3A_125] : memref<4x128xi32, #tpu.memory_space<vmem>> -> memref<1x128xi32, #tpu.memory_space<vmem>>
      %dma_start3A_127 = tpu.memref_squeeze %dma_start3A_126 : memref<1x128xi32, #tpu.memory_space<vmem>> -> memref<128xi32, #tpu.memory_space<vmem>>
      %dma_start3A_128 = tpu.memref_slice %arg3[%add3A_17] : memref<262144xi32, #tpu.memory_space<hbm>> -> memref<128xi32, #tpu.memory_space<hbm>>
      %dma_start3A_129 = arith.constant 0 : i32
      %dma_start3A_130 = tpu.memref_slice %arg5[%run_scoped3A_18, %dma_start3A_129] : memref<4x128xi32, #tpu.memory_space<vmem>> -> memref<1x128xi32, #tpu.memory_space<vmem>>
      %dma_start3A_131 = tpu.memref_squeeze %dma_start3A_130 : memref<1x128xi32, #tpu.memory_space<vmem>> -> memref<128xi32, #tpu.memory_space<vmem>>
      %dma_start3A_132 = tpu.memref_slice %arg3[%add3A_17] : memref<262144xi32, #tpu.memory_space<hbm>> -> memref<128xi32, #tpu.memory_space<hbm>>
      tpu.enqueue_dma source(%dma_start3A_132 : memref<128xi32, #tpu.memory_space<hbm>>) target(%dma_start3A_131 : memref<128xi32, #tpu.memory_space<vmem>>) target_semaphore(%run_scoped3A_124 : memref<!tpu.dma_semaphore, #tpu.memory_space<semaphore_mem>>)
      %dma_wait3A_133 = arith.constant 0 : i32
      %dma_wait3A_134 = tpu.memref_slice %arg5[%run_scoped3A_18, %dma_wait3A_133] : memref<4x128xi32, #tpu.memory_space<vmem>> -> memref<1x128xi32, #tpu.memory_space<vmem>>
      %dma_wait3A_135 = tpu.memref_squeeze %dma_wait3A_134 : memref<1x128xi32, #tpu.memory_space<vmem>> -> memref<128xi32, #tpu.memory_space<vmem>>
      %dma_wait3A_136 = tpu.memref_slice %arg3[%add3A_17] : memref<262144xi32, #tpu.memory_space<hbm>> -> memref<128xi32, #tpu.memory_space<hbm>>
      %dma_wait3A_137 = arith.constant 0 : i32
      %dma_wait3A_138 = tpu.memref_slice %arg5[%run_scoped3A_18, %dma_wait3A_137] : memref<4x128xi32, #tpu.memory_space<vmem>> -> memref<1x128xi32, #tpu.memory_space<vmem>>
      %dma_wait3A_139 = tpu.memref_squeeze %dma_wait3A_138 : memref<1x128xi32, #tpu.memory_space<vmem>> -> memref<128xi32, #tpu.memory_space<vmem>>
      %dma_wait3A_140 = tpu.memref_slice %arg3[%add3A_17] : memref<262144xi32, #tpu.memory_space<hbm>> -> memref<128xi32, #tpu.memory_space<hbm>>
      tpu.wait_dma2 semaphore(%run_scoped3A_124 : memref<!tpu.dma_semaphore, #tpu.memory_space<semaphore_mem>>) src(%dma_wait3A_140 : memref<128xi32, #tpu.memory_space<hbm>>) dst(%dma_wait3A_139 : memref<128xi32, #tpu.memory_space<vmem>>)
      tpu.yield
    }) : () -> ()
    %dma_start3A_19 = arith.constant 1 : i32
    %dma_start3A_20 = arith.constant 1 : i32
    %dma_start3A_21 = arith.constant 0 : i32
    %dma_start3A_22 = arith.constant 0 : i32
    %dma_start3A_23 = tpu.memref_slice %arg6[%dma_start3A_20, %dma_start3A_21, %dma_start3A_22] : memref<4x128x128xf32, #tpu.memory_space<vmem>> -> memref<1x128x128xf32, #tpu.memory_space<vmem>>
    %dma_start3A_24 = tpu.memref_squeeze %dma_start3A_23 : memref<1x128x128xf32, #tpu.memory_space<vmem>> -> memref<128x128xf32, #tpu.memory_space<vmem>>
    %dma_start3A_25 = arith.constant 0 : i32
    %dma_start3A_26 = tpu.memref_slice %arg5[%dma_start3A_19, %dma_start3A_25] : memref<4x128xi32, #tpu.memory_space<vmem>> -> memref<1x128xi32, #tpu.memory_space<vmem>>
    %dma_start3A_27 = tpu.memref_squeeze %dma_start3A_26 : memref<1x128xi32, #tpu.memory_space<vmem>> -> memref<128xi32, #tpu.memory_space<vmem>>
    %dma_start3A_28 = arith.constant 0 : i32
    %dma_start3A_29 = arith.constant 0 : i32
    %dma_start3A_30 = tpu.memref_slice %arg2[%dma_start3A_28, %dma_start3A_29] : memref<1000000x128xf32, #tpu.memory_space<hbm>> -> memref<1000000x128xf32, #tpu.memory_space<hbm>>
    tpu.enqueue_indirect_dma source(%dma_start3A_30 : memref<1000000x128xf32, #tpu.memory_space<hbm>>) target(%dma_start3A_24 : memref<128x128xf32, #tpu.memory_space<vmem>>) offsets(%dma_start3A_27 : memref<128xi32, #tpu.memory_space<vmem>>) semaphore(%arg8 : memref<!tpu.dma_semaphore, #tpu.memory_space<semaphore_mem>>)
    %add3A_31 = arith.constant 256 : i32
    %add3A_32 = arith.addi %mul3A_2, %add3A_31 : i32
    %run_scoped3A_33 = arith.constant 2 : i32
    "tpu.region"() ({
      %run_scoped3A_124 = tpu.sem_alloc : memref<!tpu.dma_semaphore, #tpu.memory_space<semaphore_mem>>
      %dma_start3A_125 = arith.constant 0 : i32
      %dma_start3A_126 = tpu.memref_slice %arg5[%run_scoped3A_33, %dma_start3A_125] : memref<4x128xi32, #tpu.memory_space<vmem>> -> memref<1x128xi32, #tpu.memory_space<vmem>>
      %dma_start3A_127 = tpu.memref_squeeze %dma_start3A_126 : memref<1x128xi32, #tpu.memory_space<vmem>> -> memref<128xi32, #tpu.memory_space<vmem>>
      %dma_start3A_128 = tpu.memref_slice %arg3[%add3A_32] : memref<262144xi32, #tpu.memory_space<hbm>> -> memref<128xi32, #tpu.memory_space<hbm>>
      %dma_start3A_129 = arith.constant 0 : i32
      %dma_start3A_130 = tpu.memref_slice %arg5[%run_scoped3A_33, %dma_start3A_129] : memref<4x128xi32, #tpu.memory_space<vmem>> -> memref<1x128xi32, #tpu.memory_space<vmem>>
      %dma_start3A_131 = tpu.memref_squeeze %dma_start3A_130 : memref<1x128xi32, #tpu.memory_space<vmem>> -> memref<128xi32, #tpu.memory_space<vmem>>
      %dma_start3A_132 = tpu.memref_slice %arg3[%add3A_32] : memref<262144xi32, #tpu.memory_space<hbm>> -> memref<128xi32, #tpu.memory_space<hbm>>
      tpu.enqueue_dma source(%dma_start3A_132 : memref<128xi32, #tpu.memory_space<hbm>>) target(%dma_start3A_131 : memref<128xi32, #tpu.memory_space<vmem>>) target_semaphore(%run_scoped3A_124 : memref<!tpu.dma_semaphore, #tpu.memory_space<semaphore_mem>>)
      %dma_wait3A_133 = arith.constant 0 : i32
      %dma_wait3A_134 = tpu.memref_slice %arg5[%run_scoped3A_33, %dma_wait3A_133] : memref<4x128xi32, #tpu.memory_space<vmem>> -> memref<1x128xi32, #tpu.memory_space<vmem>>
      %dma_wait3A_135 = tpu.memref_squeeze %dma_wait3A_134 : memref<1x128xi32, #tpu.memory_space<vmem>> -> memref<128xi32, #tpu.memory_space<vmem>>
      %dma_wait3A_136 = tpu.memref_slice %arg3[%add3A_32] : memref<262144xi32, #tpu.memory_space<hbm>> -> memref<128xi32, #tpu.memory_space<hbm>>
      %dma_wait3A_137 = arith.constant 0 : i32
      %dma_wait3A_138 = tpu.memref_slice %arg5[%run_scoped3A_33, %dma_wait3A_137] : memref<4x128xi32, #tpu.memory_space<vmem>> -> memref<1x128xi32, #tpu.memory_space<vmem>>
      %dma_wait3A_139 = tpu.memref_squeeze %dma_wait3A_138 : memref<1x128xi32, #tpu.memory_space<vmem>> -> memref<128xi32, #tpu.memory_space<vmem>>
      %dma_wait3A_140 = tpu.memref_slice %arg3[%add3A_32] : memref<262144xi32, #tpu.memory_space<hbm>> -> memref<128xi32, #tpu.memory_space<hbm>>
      tpu.wait_dma2 semaphore(%run_scoped3A_124 : memref<!tpu.dma_semaphore, #tpu.memory_space<semaphore_mem>>) src(%dma_wait3A_140 : memref<128xi32, #tpu.memory_space<hbm>>) dst(%dma_wait3A_139 : memref<128xi32, #tpu.memory_space<vmem>>)
      tpu.yield
    }) : () -> ()
    %dma_start3A_34 = arith.constant 2 : i32
    %dma_start3A_35 = arith.constant 2 : i32
    %dma_start3A_36 = arith.constant 0 : i32
    %dma_start3A_37 = arith.constant 0 : i32
    %dma_start3A_38 = tpu.memref_slice %arg6[%dma_start3A_35, %dma_start3A_36, %dma_start3A_37] : memref<4x128x128xf32, #tpu.memory_space<vmem>> -> memref<1x128x128xf32, #tpu.memory_space<vmem>>
    %dma_start3A_39 = tpu.memref_squeeze %dma_start3A_38 : memref<1x128x128xf32, #tpu.memory_space<vmem>> -> memref<128x128xf32, #tpu.memory_space<vmem>>
    %dma_start3A_40 = arith.constant 0 : i32
    %dma_start3A_41 = tpu.memref_slice %arg5[%dma_start3A_34, %dma_start3A_40] : memref<4x128xi32, #tpu.memory_space<vmem>> -> memref<1x128xi32, #tpu.memory_space<vmem>>
    %dma_start3A_42 = tpu.memref_squeeze %dma_start3A_41 : memref<1x128xi32, #tpu.memory_space<vmem>> -> memref<128xi32, #tpu.memory_space<vmem>>
    %dma_start3A_43 = arith.constant 0 : i32
    %dma_start3A_44 = arith.constant 0 : i32
    %dma_start3A_45 = tpu.memref_slice %arg2[%dma_start3A_43, %dma_start3A_44] : memref<1000000x128xf32, #tpu.memory_space<hbm>> -> memref<1000000x128xf32, #tpu.memory_space<hbm>>
    tpu.enqueue_indirect_dma source(%dma_start3A_45 : memref<1000000x128xf32, #tpu.memory_space<hbm>>) target(%dma_start3A_39 : memref<128x128xf32, #tpu.memory_space<vmem>>) offsets(%dma_start3A_42 : memref<128xi32, #tpu.memory_space<vmem>>) semaphore(%arg9 : memref<!tpu.dma_semaphore, #tpu.memory_space<semaphore_mem>>)
    %add3A_46 = arith.constant 384 : i32
    %add3A_47 = arith.addi %mul3A_2, %add3A_46 : i32
    %run_scoped3A_48 = arith.constant 3 : i32
    "tpu.region"() ({
      %run_scoped3A_124 = tpu.sem_alloc : memref<!tpu.dma_semaphore, #tpu.memory_space<semaphore_mem>>
      %dma_start3A_125 = arith.constant 0 : i32
      %dma_start3A_126 = tpu.memref_slice %arg5[%run_scoped3A_48, %dma_start3A_125] : memref<4x128xi32, #tpu.memory_space<vmem>> -> memref<1x128xi32, #tpu.memory_space<vmem>>
      %dma_start3A_127 = tpu.memref_squeeze %dma_start3A_126 : memref<1x128xi32, #tpu.memory_space<vmem>> -> memref<128xi32, #tpu.memory_space<vmem>>
      %dma_start3A_128 = tpu.memref_slice %arg3[%add3A_47] : memref<262144xi32, #tpu.memory_space<hbm>> -> memref<128xi32, #tpu.memory_space<hbm>>
      %dma_start3A_129 = arith.constant 0 : i32
      %dma_start3A_130 = tpu.memref_slice %arg5[%run_scoped3A_48, %dma_start3A_129] : memref<4x128xi32, #tpu.memory_space<vmem>> -> memref<1x128xi32, #tpu.memory_space<vmem>>
      %dma_start3A_131 = tpu.memref_squeeze %dma_start3A_130 : memref<1x128xi32, #tpu.memory_space<vmem>> -> memref<128xi32, #tpu.memory_space<vmem>>
      %dma_start3A_132 = tpu.memref_slice %arg3[%add3A_47] : memref<262144xi32, #tpu.memory_space<hbm>> -> memref<128xi32, #tpu.memory_space<hbm>>
      tpu.enqueue_dma source(%dma_start3A_132 : memref<128xi32, #tpu.memory_space<hbm>>) target(%dma_start3A_131 : memref<128xi32, #tpu.memory_space<vmem>>) target_semaphore(%run_scoped3A_124 : memref<!tpu.dma_semaphore, #tpu.memory_space<semaphore_mem>>)
      %dma_wait3A_133 = arith.constant 0 : i32
      %dma_wait3A_134 = tpu.memref_slice %arg5[%run_scoped3A_48, %dma_wait3A_133] : memref<4x128xi32, #tpu.memory_space<vmem>> -> memref<1x128xi32, #tpu.memory_space<vmem>>
      %dma_wait3A_135 = tpu.memref_squeeze %dma_wait3A_134 : memref<1x128xi32, #tpu.memory_space<vmem>> -> memref<128xi32, #tpu.memory_space<vmem>>
      %dma_wait3A_136 = tpu.memref_slice %arg3[%add3A_47] : memref<262144xi32, #tpu.memory_space<hbm>> -> memref<128xi32, #tpu.memory_space<hbm>>
      %dma_wait3A_137 = arith.constant 0 : i32
      %dma_wait3A_138 = tpu.memref_slice %arg5[%run_scoped3A_48, %dma_wait3A_137] : memref<4x128xi32, #tpu.memory_space<vmem>> -> memref<1x128xi32, #tpu.memory_space<vmem>>
      %dma_wait3A_139 = tpu.memref_squeeze %dma_wait3A_138 : memref<1x128xi32, #tpu.memory_space<vmem>> -> memref<128xi32, #tpu.memory_space<vmem>>
      %dma_wait3A_140 = tpu.memref_slice %arg3[%add3A_47] : memref<262144xi32, #tpu.memory_space<hbm>> -> memref<128xi32, #tpu.memory_space<hbm>>
      tpu.wait_dma2 semaphore(%run_scoped3A_124 : memref<!tpu.dma_semaphore, #tpu.memory_space<semaphore_mem>>) src(%dma_wait3A_140 : memref<128xi32, #tpu.memory_space<hbm>>) dst(%dma_wait3A_139 : memref<128xi32, #tpu.memory_space<vmem>>)
      tpu.yield
    }) : () -> ()
    %dma_start3A_49 = arith.constant 3 : i32
    %dma_start3A_50 = arith.constant 3 : i32
    %dma_start3A_51 = arith.constant 0 : i32
    %dma_start3A_52 = arith.constant 0 : i32
    %dma_start3A_53 = tpu.memref_slice %arg6[%dma_start3A_50, %dma_start3A_51, %dma_start3A_52] : memref<4x128x128xf32, #tpu.memory_space<vmem>> -> memref<1x128x128xf32, #tpu.memory_space<vmem>>
    %dma_start3A_54 = tpu.memref_squeeze %dma_start3A_53 : memref<1x128x128xf32, #tpu.memory_space<vmem>> -> memref<128x128xf32, #tpu.memory_space<vmem>>
    %dma_start3A_55 = arith.constant 0 : i32
    %dma_start3A_56 = tpu.memref_slice %arg5[%dma_start3A_49, %dma_start3A_55] : memref<4x128xi32, #tpu.memory_space<vmem>> -> memref<1x128xi32, #tpu.memory_space<vmem>>
    %dma_start3A_57 = tpu.memref_squeeze %dma_start3A_56 : memref<1x128xi32, #tpu.memory_space<vmem>> -> memref<128xi32, #tpu.memory_space<vmem>>
    %dma_start3A_58 = arith.constant 0 : i32
    %dma_start3A_59 = arith.constant 0 : i32
    %dma_start3A_60 = tpu.memref_slice %arg2[%dma_start3A_58, %dma_start3A_59] : memref<1000000x128xf32, #tpu.memory_space<hbm>> -> memref<1000000x128xf32, #tpu.memory_space<hbm>>
    tpu.enqueue_indirect_dma source(%dma_start3A_60 : memref<1000000x128xf32, #tpu.memory_space<hbm>>) target(%dma_start3A_54 : memref<128x128xf32, #tpu.memory_space<vmem>>) offsets(%dma_start3A_57 : memref<128xi32, #tpu.memory_space<vmem>>) semaphore(%arg10 : memref<!tpu.dma_semaphore, #tpu.memory_space<semaphore_mem>>)
    %scan3A = arith.constant 0 : i32
    %scan3A_61 = arith.constant 15 : i32
    %scan3A_62 = arith.addi %scan3A, %scan3A_61 : i32
    %scan3A_63 = arith.constant 1 : i32
    scf.for %scan3A_124 = %scan3A to %scan3A_62 step %scan3A_63  : i32 {
      %mul3A_125 = arith.constant 4 : i32
      %mul3A_126 = arith.muli %scan3A_124, %mul3A_125 : i32
      %add3A_127 = arith.constant 0 : i32
      %add3A_128 = arith.addi %add3A_127, %mul3A_126 : i32
      %add3A_129 = arith.constant 0 : i32
      %add3A_130 = arith.addi %add3A_128, %add3A_129 : i32
      %dma_wait3A_131 = arith.constant 0 : i32
      %dma_wait3A_132 = arith.constant 0 : i32
      %dma_wait3A_133 = arith.constant 0 : i32
      %dma_wait3A_134 = arith.constant 0 : i32
      %dma_wait3A_135 = tpu.memref_slice %arg6[%dma_wait3A_132, %dma_wait3A_133, %dma_wait3A_134] : memref<4x128x128xf32, #tpu.memory_space<vmem>> -> memref<1x128x128xf32, #tpu.memory_space<vmem>>
      %dma_wait3A_136 = tpu.memref_squeeze %dma_wait3A_135 : memref<1x128x128xf32, #tpu.memory_space<vmem>> -> memref<128x128xf32, #tpu.memory_space<vmem>>
      %dma_wait3A_137 = arith.constant 0 : i32
      %dma_wait3A_138 = tpu.memref_slice %arg5[%dma_wait3A_131, %dma_wait3A_137] : memref<4x128xi32, #tpu.memory_space<vmem>> -> memref<1x128xi32, #tpu.memory_space<vmem>>
      %dma_wait3A_139 = tpu.memref_squeeze %dma_wait3A_138 : memref<1x128xi32, #tpu.memory_space<vmem>> -> memref<128xi32, #tpu.memory_space<vmem>>
      %dma_wait3A_140 = arith.constant 0 : i32
      %dma_wait3A_141 = arith.constant 0 : i32
      %dma_wait3A_142 = tpu.memref_slice %arg2[%dma_wait3A_140, %dma_wait3A_141] : memref<1000000x128xf32, #tpu.memory_space<hbm>> -> memref<1000000x128xf32, #tpu.memory_space<hbm>>
      tpu.wait_indirect_dma semaphore(%arg7 : memref<!tpu.dma_semaphore, #tpu.memory_space<semaphore_mem>>) src(%dma_wait3A_142 : memref<1000000x128xf32, #tpu.memory_space<hbm>>) dst(%dma_wait3A_136 : memref<128x128xf32, #tpu.memory_space<vmem>>)
      %mul3A_143 = arith.constant 128 : i32
      %mul3A_144 = arith.muli %add3A_130, %mul3A_143 : i32
      %add3A_145 = arith.addi %mul3A_2, %mul3A_144 : i32
      %run_scoped3A_146 = arith.constant 0 : i32
      "tpu.region"() ({
        %run_scoped3A_273 = tpu.sem_alloc : memref<!tpu.dma_semaphore, #tpu.memory_space<semaphore_mem>>
        %dma_start3A_274 = arith.constant 0 : i32
        %dma_start3A_275 = arith.constant 0 : i32
        %dma_start3A_276 = tpu.memref_slice %arg6[%run_scoped3A_146, %dma_start3A_274, %dma_start3A_275] : memref<4x128x128xf32, #tpu.memory_space<vmem>> -> memref<1x128x128xf32, #tpu.memory_space<vmem>>
        %dma_start3A_277 = tpu.memref_squeeze %dma_start3A_276 : memref<1x128x128xf32, #tpu.memory_space<vmem>> -> memref<128x128xf32, #tpu.memory_space<vmem>>
        %dma_start3A_278 = arith.constant 0 : i32
        %dma_start3A_279 = tpu.memref_slice %arg4[%add3A_145, %dma_start3A_278] : memref<262144x128xf32, #tpu.memory_space<hbm>> -> memref<128x128xf32, #tpu.memory_space<hbm>>
        %dma_start3A_280 = arith.constant 0 : i32
        %dma_start3A_281 = tpu.memref_slice %arg4[%add3A_145, %dma_start3A_280] : memref<262144x128xf32, #tpu.memory_space<hbm>> -> memref<128x128xf32, #tpu.memory_space<hbm>>
        %dma_start3A_282 = arith.constant 0 : i32
        %dma_start3A_283 = arith.constant 0 : i32
        %dma_start3A_284 = tpu.memref_slice %arg6[%run_scoped3A_146, %dma_start3A_282, %dma_start3A_283] : memref<4x128x128xf32, #tpu.memory_space<vmem>> -> memref<1x128x128xf32, #tpu.memory_space<vmem>>
        %dma_start3A_285 = tpu.memref_squeeze %dma_start3A_284 : memref<1x128x128xf32, #tpu.memory_space<vmem>> -> memref<128x128xf32, #tpu.memory_space<vmem>>
        tpu.enqueue_dma source(%dma_start3A_285 : memref<128x128xf32, #tpu.memory_space<vmem>>) target(%dma_start3A_281 : memref<128x128xf32, #tpu.memory_space<hbm>>) target_semaphore(%run_scoped3A_273 : memref<!tpu.dma_semaphore, #tpu.memory_space<semaphore_mem>>)
        %dma_wait3A_286 = arith.constant 0 : i32
        %dma_wait3A_287 = arith.constant 0 : i32
        %dma_wait3A_288 = tpu.memref_slice %arg6[%run_scoped3A_146, %dma_wait3A_286, %dma_wait3A_287] : memref<4x128x128xf32, #tpu.memory_space<vmem>> -> memref<1x128x128xf32, #tpu.memory_space<vmem>>
        %dma_wait3A_289 = tpu.memref_squeeze %dma_wait3A_288 : memref<1x128x128xf32, #tpu.memory_space<vmem>> -> memref<128x128xf32, #tpu.memory_space<vmem>>
        %dma_wait3A_290 = arith.constant 0 : i32
        %dma_wait3A_291 = tpu.memref_slice %arg4[%add3A_145, %dma_wait3A_290] : memref<262144x128xf32, #tpu.memory_space<hbm>> -> memref<128x128xf32, #tpu.memory_space<hbm>>
        %dma_wait3A_292 = arith.constant 0 : i32
        %dma_wait3A_293 = tpu.memref_slice %arg4[%add3A_145, %dma_wait3A_292] : memref<262144x128xf32, #tpu.memory_space<hbm>> -> memref<128x128xf32, #tpu.memory_space<hbm>>
        %dma_wait3A_294 = arith.constant 0 : i32
        %dma_wait3A_295 = arith.constant 0 : i32
        %dma_wait3A_296 = tpu.memref_slice %arg6[%run_scoped3A_146, %dma_wait3A_294, %dma_wait3A_295] : memref<4x128x128xf32, #tpu.memory_space<vmem>> -> memref<1x128x128xf32, #tpu.memory_space<vmem>>
        %dma_wait3A_297 = tpu.memref_squeeze %dma_wait3A_296 : memref<1x128x128xf32, #tpu.memory_space<vmem>> -> memref<128x128xf32, #tpu.memory_space<vmem>>
        tpu.wait_dma2 semaphore(%run_scoped3A_273 : memref<!tpu.dma_semaphore, #tpu.memory_space<semaphore_mem>>) src(%dma_wait3A_297 : memref<128x128xf32, #tpu.memory_space<vmem>>) dst(%dma_wait3A_293 : memref<128x128xf32, #tpu.memory_space<hbm>>)
        tpu.yield
      }) : () -> ()
      %add3A_147 = arith.constant 4 : i32
      %add3A_148 = arith.addi %add3A_130, %add3A_147 : i32
      %mul3A_149 = arith.constant 128 : i32
      %mul3A_150 = arith.muli %add3A_148, %mul3A_149 : i32
      %add3A_151 = arith.addi %mul3A_2, %mul3A_150 : i32
      %run_scoped3A_152 = arith.constant 0 : i32
      "tpu.region"() ({
        %run_scoped3A_273 = tpu.sem_alloc : memref<!tpu.dma_semaphore, #tpu.memory_space<semaphore_mem>>
        %dma_start3A_274 = arith.constant 0 : i32
        %dma_start3A_275 = tpu.memref_slice %arg5[%run_scoped3A_152, %dma_start3A_274] : memref<4x128xi32, #tpu.memory_space<vmem>> -> memref<1x128xi32, #tpu.memory_space<vmem>>
        %dma_start3A_276 = tpu.memref_squeeze %dma_start3A_275 : memref<1x128xi32, #tpu.memory_space<vmem>> -> memref<128xi32, #tpu.memory_space<vmem>>
        %dma_start3A_277 = tpu.memref_slice %arg3[%add3A_151] : memref<262144xi32, #tpu.memory_space<hbm>> -> memref<128xi32, #tpu.memory_space<hbm>>
        %dma_start3A_278 = arith.constant 0 : i32
        %dma_start3A_279 = tpu.memref_slice %arg5[%run_scoped3A_152, %dma_start3A_278] : memref<4x128xi32, #tpu.memory_space<vmem>> -> memref<1x128xi32, #tpu.memory_space<vmem>>
        %dma_start3A_280 = tpu.memref_squeeze %dma_start3A_279 : memref<1x128xi32, #tpu.memory_space<vmem>> -> memref<128xi32, #tpu.memory_space<vmem>>
        %dma_start3A_281 = tpu.memref_slice %arg3[%add3A_151] : memref<262144xi32, #tpu.memory_space<hbm>> -> memref<128xi32, #tpu.memory_space<hbm>>
        tpu.enqueue_dma source(%dma_start3A_281 : memref<128xi32, #tpu.memory_space<hbm>>) target(%dma_start3A_280 : memref<128xi32, #tpu.memory_space<vmem>>) target_semaphore(%run_scoped3A_273 : memref<!tpu.dma_semaphore, #tpu.memory_space<semaphore_mem>>)
        %dma_wait3A_282 = arith.constant 0 : i32
        %dma_wait3A_283 = tpu.memref_slice %arg5[%run_scoped3A_152, %dma_wait3A_282] : memref<4x128xi32, #tpu.memory_space<vmem>> -> memref<1x128xi32, #tpu.memory_space<vmem>>
        %dma_wait3A_284 = tpu.memref_squeeze %dma_wait3A_283 : memref<1x128xi32, #tpu.memory_space<vmem>> -> memref<128xi32, #tpu.memory_space<vmem>>
        %dma_wait3A_285 = tpu.memref_slice %arg3[%add3A_151] : memref<262144xi32, #tpu.memory_space<hbm>> -> memref<128xi32, #tpu.memory_space<hbm>>
        %dma_wait3A_286 = arith.constant 0 : i32
        %dma_wait3A_287 = tpu.memref_slice %arg5[%run_scoped3A_152, %dma_wait3A_286] : memref<4x128xi32, #tpu.memory_space<vmem>> -> memref<1x128xi32, #tpu.memory_space<vmem>>
        %dma_wait3A_288 = tpu.memref_squeeze %dma_wait3A_287 : memref<1x128xi32, #tpu.memory_space<vmem>> -> memref<128xi32, #tpu.memory_space<vmem>>
        %dma_wait3A_289 = tpu.memref_slice %arg3[%add3A_151] : memref<262144xi32, #tpu.memory_space<hbm>> -> memref<128xi32, #tpu.memory_space<hbm>>
        tpu.wait_dma2 semaphore(%run_scoped3A_273 : memref<!tpu.dma_semaphore, #tpu.memory_space<semaphore_mem>>) src(%dma_wait3A_289 : memref<128xi32, #tpu.memory_space<hbm>>) dst(%dma_wait3A_288 : memref<128xi32, #tpu.memory_space<vmem>>)
        tpu.yield
      }) : () -> ()
      %dma_start3A_153 = arith.constant 0 : i32
      %dma_start3A_154 = arith.constant 0 : i32
      %dma_start3A_155 = arith.constant 0 : i32
      %dma_start3A_156 = arith.constant 0 : i32
      %dma_start3A_157 = tpu.memref_slice %arg6[%dma_start3A_154, %dma_start3A_155, %dma_start3A_156] : memref<4x128x128xf32, #tpu.memory_space<vmem>> -> memref<1x128x128xf32, #tpu.memory_space<vmem>>
      %dma_start3A_158 = tpu.memref_squeeze %dma_start3A_157 : memref<1x128x128xf32, #tpu.memory_space<vmem>> -> memref<128x128xf32, #tpu.memory_space<vmem>>
      %dma_start3A_159 = arith.constant 0 : i32
      %dma_start3A_160 = tpu.memref_slice %arg5[%dma_start3A_153, %dma_start3A_159] : memref<4x128xi32, #tpu.memory_space<vmem>> -> memref<1x128xi32, #tpu.memory_space<vmem>>
      %dma_start3A_161 = tpu.memref_squeeze %dma_start3A_160 : memref<1x128xi32, #tpu.memory_space<vmem>> -> memref<128xi32, #tpu.memory_space<vmem>>
      %dma_start3A_162 = arith.constant 0 : i32
      %dma_start3A_163 = arith.constant 0 : i32
      %dma_start3A_164 = tpu.memref_slice %arg2[%dma_start3A_162, %dma_start3A_163] : memref<1000000x128xf32, #tpu.memory_space<hbm>> -> memref<1000000x128xf32, #tpu.memory_space<hbm>>
      tpu.enqueue_indirect_dma source(%dma_start3A_164 : memref<1000000x128xf32, #tpu.memory_space<hbm>>) target(%dma_start3A_158 : memref<128x128xf32, #tpu.memory_space<vmem>>) offsets(%dma_start3A_161 : memref<128xi32, #tpu.memory_space<vmem>>) semaphore(%arg7 : memref<!tpu.dma_semaphore, #tpu.memory_space<semaphore_mem>>)
      %add3A_165 = arith.constant 1 : i32
      %add3A_166 = arith.addi %add3A_128, %add3A_165 : i32
      %dma_wait3A_167 = arith.constant 1 : i32
      %dma_wait3A_168 = arith.constant 1 : i32
      %dma_wait3A_169 = arith.constant 0 : i32
      %dma_wait3A_170 = arith.constant 0 : i32
      %dma_wait3A_171 = tpu.memref_slice %arg6[%dma_wait3A_168, %dma_wait3A_169, %dma_wait3A_170] : memref<4x128x128xf32, #tpu.memory_space<vmem>> -> memref<1x128x128xf32, #tpu.memory_space<vmem>>
      %dma_wait3A_172 = tpu.memref_squeeze %dma_wait3A_171 : memref<1x128x128xf32, #tpu.memory_space<vmem>> -> memref<128x128xf32, #tpu.memory_space<vmem>>
      %dma_wait3A_173 = arith.constant 0 : i32
      %dma_wait3A_174 = tpu.memref_slice %arg5[%dma_wait3A_167, %dma_wait3A_173] : memref<4x128xi32, #tpu.memory_space<vmem>> -> memref<1x128xi32, #tpu.memory_space<vmem>>
      %dma_wait3A_175 = tpu.memref_squeeze %dma_wait3A_174 : memref<1x128xi32, #tpu.memory_space<vmem>> -> memref<128xi32, #tpu.memory_space<vmem>>
      %dma_wait3A_176 = arith.constant 0 : i32
      %dma_wait3A_177 = arith.constant 0 : i32
      %dma_wait3A_178 = tpu.memref_slice %arg2[%dma_wait3A_176, %dma_wait3A_177] : memref<1000000x128xf32, #tpu.memory_space<hbm>> -> memref<1000000x128xf32, #tpu.memory_space<hbm>>
      tpu.wait_indirect_dma semaphore(%arg8 : memref<!tpu.dma_semaphore, #tpu.memory_space<semaphore_mem>>) src(%dma_wait3A_178 : memref<1000000x128xf32, #tpu.memory_space<hbm>>) dst(%dma_wait3A_172 : memref<128x128xf32, #tpu.memory_space<vmem>>)
      %mul3A_179 = arith.constant 128 : i32
      %mul3A_180 = arith.muli %add3A_166, %mul3A_179 : i32
      %add3A_181 = arith.addi %mul3A_2, %mul3A_180 : i32
      %run_scoped3A_182 = arith.constant 1 : i32
      "tpu.region"() ({
        %run_scoped3A_273 = tpu.sem_alloc : memref<!tpu.dma_semaphore, #tpu.memory_space<semaphore_mem>>
        %dma_start3A_274 = arith.constant 0 : i32
        %dma_start3A_275 = arith.constant 0 : i32
        %dma_start3A_276 = tpu.memref_slice %arg6[%run_scoped3A_182, %dma_start3A_274, %dma_start3A_275] : memref<4x128x128xf32, #tpu.memory_space<vmem>> -> memref<1x128x128xf32, #tpu.memory_space<vmem>>
        %dma_start3A_277 = tpu.memref_squeeze %dma_start3A_276 : memref<1x128x128xf32, #tpu.memory_space<vmem>> -> memref<128x128xf32, #tpu.memory_space<vmem>>
        %dma_start3A_278 = arith.constant 0 : i32
        %dma_start3A_279 = tpu.memref_slice %arg4[%add3A_181, %dma_start3A_278] : memref<262144x128xf32, #tpu.memory_space<hbm>> -> memref<128x128xf32, #tpu.memory_space<hbm>>
        %dma_start3A_280 = arith.constant 0 : i32
        %dma_start3A_281 = tpu.memref_slice %arg4[%add3A_181, %dma_start3A_280] : memref<262144x128xf32, #tpu.memory_space<hbm>> -> memref<128x128xf32, #tpu.memory_space<hbm>>
        %dma_start3A_282 = arith.constant 0 : i32
        %dma_start3A_283 = arith.constant 0 : i32
        %dma_start3A_284 = tpu.memref_slice %arg6[%run_scoped3A_182, %dma_start3A_282, %dma_start3A_283] : memref<4x128x128xf32, #tpu.memory_space<vmem>> -> memref<1x128x128xf32, #tpu.memory_space<vmem>>
        %dma_start3A_285 = tpu.memref_squeeze %dma_start3A_284 : memref<1x128x128xf32, #tpu.memory_space<vmem>> -> memref<128x128xf32, #tpu.memory_space<vmem>>
        tpu.enqueue_dma source(%dma_start3A_285 : memref<128x128xf32, #tpu.memory_space<vmem>>) target(%dma_start3A_281 : memref<128x128xf32, #tpu.memory_space<hbm>>) target_semaphore(%run_scoped3A_273 : memref<!tpu.dma_semaphore, #tpu.memory_space<semaphore_mem>>)
        %dma_wait3A_286 = arith.constant 0 : i32
        %dma_wait3A_287 = arith.constant 0 : i32
        %dma_wait3A_288 = tpu.memref_slice %arg6[%run_scoped3A_182, %dma_wait3A_286, %dma_wait3A_287] : memref<4x128x128xf32, #tpu.memory_space<vmem>> -> memref<1x128x128xf32, #tpu.memory_space<vmem>>
        %dma_wait3A_289 = tpu.memref_squeeze %dma_wait3A_288 : memref<1x128x128xf32, #tpu.memory_space<vmem>> -> memref<128x128xf32, #tpu.memory_space<vmem>>
        %dma_wait3A_290 = arith.constant 0 : i32
        %dma_wait3A_291 = tpu.memref_slice %arg4[%add3A_181, %dma_wait3A_290] : memref<262144x128xf32, #tpu.memory_space<hbm>> -> memref<128x128xf32, #tpu.memory_space<hbm>>
        %dma_wait3A_292 = arith.constant 0 : i32
        %dma_wait3A_293 = tpu.memref_slice %arg4[%add3A_181, %dma_wait3A_292] : memref<262144x128xf32, #tpu.memory_space<hbm>> -> memref<128x128xf32, #tpu.memory_space<hbm>>
        %dma_wait3A_294 = arith.constant 0 : i32
        %dma_wait3A_295 = arith.constant 0 : i32
        %dma_wait3A_296 = tpu.memref_slice %arg6[%run_scoped3A_182, %dma_wait3A_294, %dma_wait3A_295] : memref<4x128x128xf32, #tpu.memory_space<vmem>> -> memref<1x128x128xf32, #tpu.memory_space<vmem>>
        %dma_wait3A_297 = tpu.memref_squeeze %dma_wait3A_296 : memref<1x128x128xf32, #tpu.memory_space<vmem>> -> memref<128x128xf32, #tpu.memory_space<vmem>>
        tpu.wait_dma2 semaphore(%run_scoped3A_273 : memref<!tpu.dma_semaphore, #tpu.memory_space<semaphore_mem>>) src(%dma_wait3A_297 : memref<128x128xf32, #tpu.memory_space<vmem>>) dst(%dma_wait3A_293 : memref<128x128xf32, #tpu.memory_space<hbm>>)
        tpu.yield
      }) : () -> ()
      %add3A_183 = arith.constant 4 : i32
      %add3A_184 = arith.addi %add3A_166, %add3A_183 : i32
      %mul3A_185 = arith.constant 128 : i32
      %mul3A_186 = arith.muli %add3A_184, %mul3A_185 : i32
      %add3A_187 = arith.addi %mul3A_2, %mul3A_186 : i32
      %run_scoped3A_188 = arith.constant 1 : i32
      "tpu.region"() ({
        %run_scoped3A_273 = tpu.sem_alloc : memref<!tpu.dma_semaphore, #tpu.memory_space<semaphore_mem>>
        %dma_start3A_274 = arith.constant 0 : i32
        %dma_start3A_275 = tpu.memref_slice %arg5[%run_scoped3A_188, %dma_start3A_274] : memref<4x128xi32, #tpu.memory_space<vmem>> -> memref<1x128xi32, #tpu.memory_space<vmem>>
        %dma_start3A_276 = tpu.memref_squeeze %dma_start3A_275 : memref<1x128xi32, #tpu.memory_space<vmem>> -> memref<128xi32, #tpu.memory_space<vmem>>
        %dma_start3A_277 = tpu.memref_slice %arg3[%add3A_187] : memref<262144xi32, #tpu.memory_space<hbm>> -> memref<128xi32, #tpu.memory_space<hbm>>
        %dma_start3A_278 = arith.constant 0 : i32
        %dma_start3A_279 = tpu.memref_slice %arg5[%run_scoped3A_188, %dma_start3A_278] : memref<4x128xi32, #tpu.memory_space<vmem>> -> memref<1x128xi32, #tpu.memory_space<vmem>>
        %dma_start3A_280 = tpu.memref_squeeze %dma_start3A_279 : memref<1x128xi32, #tpu.memory_space<vmem>> -> memref<128xi32, #tpu.memory_space<vmem>>
        %dma_start3A_281 = tpu.memref_slice %arg3[%add3A_187] : memref<262144xi32, #tpu.memory_space<hbm>> -> memref<128xi32, #tpu.memory_space<hbm>>
        tpu.enqueue_dma source(%dma_start3A_281 : memref<128xi32, #tpu.memory_space<hbm>>) target(%dma_start3A_280 : memref<128xi32, #tpu.memory_space<vmem>>) target_semaphore(%run_scoped3A_273 : memref<!tpu.dma_semaphore, #tpu.memory_space<semaphore_mem>>)
        %dma_wait3A_282 = arith.constant 0 : i32
        %dma_wait3A_283 = tpu.memref_slice %arg5[%run_scoped3A_188, %dma_wait3A_282] : memref<4x128xi32, #tpu.memory_space<vmem>> -> memref<1x128xi32, #tpu.memory_space<vmem>>
        %dma_wait3A_284 = tpu.memref_squeeze %dma_wait3A_283 : memref<1x128xi32, #tpu.memory_space<vmem>> -> memref<128xi32, #tpu.memory_space<vmem>>
        %dma_wait3A_285 = tpu.memref_slice %arg3[%add3A_187] : memref<262144xi32, #tpu.memory_space<hbm>> -> memref<128xi32, #tpu.memory_space<hbm>>
        %dma_wait3A_286 = arith.constant 0 : i32
        %dma_wait3A_287 = tpu.memref_slice %arg5[%run_scoped3A_188, %dma_wait3A_286] : memref<4x128xi32, #tpu.memory_space<vmem>> -> memref<1x128xi32, #tpu.memory_space<vmem>>
        %dma_wait3A_288 = tpu.memref_squeeze %dma_wait3A_287 : memref<1x128xi32, #tpu.memory_space<vmem>> -> memref<128xi32, #tpu.memory_space<vmem>>
        %dma_wait3A_289 = tpu.memref_slice %arg3[%add3A_187] : memref<262144xi32, #tpu.memory_space<hbm>> -> memref<128xi32, #tpu.memory_space<hbm>>
        tpu.wait_dma2 semaphore(%run_scoped3A_273 : memref<!tpu.dma_semaphore, #tpu.memory_space<semaphore_mem>>) src(%dma_wait3A_289 : memref<128xi32, #tpu.memory_space<hbm>>) dst(%dma_wait3A_288 : memref<128xi32, #tpu.memory_space<vmem>>)
        tpu.yield
      }) : () -> ()
      %dma_start3A_189 = arith.constant 1 : i32
      %dma_start3A_190 = arith.constant 1 : i32
      %dma_start3A_191 = arith.constant 0 : i32
      %dma_start3A_192 = arith.constant 0 : i32
      %dma_start3A_193 = tpu.memref_slice %arg6[%dma_start3A_190, %dma_start3A_191, %dma_start3A_192] : memref<4x128x128xf32, #tpu.memory_space<vmem>> -> memref<1x128x128xf32, #tpu.memory_space<vmem>>
      %dma_start3A_194 = tpu.memref_squeeze %dma_start3A_193 : memref<1x128x128xf32, #tpu.memory_space<vmem>> -> memref<128x128xf32, #tpu.memory_space<vmem>>
      %dma_start3A_195 = arith.constant 0 : i32
      %dma_start3A_196 = tpu.memref_slice %arg5[%dma_start3A_189, %dma_start3A_195] : memref<4x128xi32, #tpu.memory_space<vmem>> -> memref<1x128xi32, #tpu.memory_space<vmem>>
      %dma_start3A_197 = tpu.memref_squeeze %dma_start3A_196 : memref<1x128xi32, #tpu.memory_space<vmem>> -> memref<128xi32, #tpu.memory_space<vmem>>
      %dma_start3A_198 = arith.constant 0 : i32
      %dma_start3A_199 = arith.constant 0 : i32
      %dma_start3A_200 = tpu.memref_slice %arg2[%dma_start3A_198, %dma_start3A_199] : memref<1000000x128xf32, #tpu.memory_space<hbm>> -> memref<1000000x128xf32, #tpu.memory_space<hbm>>
      tpu.enqueue_indirect_dma source(%dma_start3A_200 : memref<1000000x128xf32, #tpu.memory_space<hbm>>) target(%dma_start3A_194 : memref<128x128xf32, #tpu.memory_space<vmem>>) offsets(%dma_start3A_197 : memref<128xi32, #tpu.memory_space<vmem>>) semaphore(%arg8 : memref<!tpu.dma_semaphore, #tpu.memory_space<semaphore_mem>>)
      %add3A_201 = arith.constant 2 : i32
      %add3A_202 = arith.addi %add3A_128, %add3A_201 : i32
      %dma_wait3A_203 = arith.constant 2 : i32
      %dma_wait3A_204 = arith.constant 2 : i32
      %dma_wait3A_205 = arith.constant 0 : i32
      %dma_wait3A_206 = arith.constant 0 : i32
      %dma_wait3A_207 = tpu.memref_slice %arg6[%dma_wait3A_204, %dma_wait3A_205, %dma_wait3A_206] : memref<4x128x128xf32, #tpu.memory_space<vmem>> -> memref<1x128x128xf32, #tpu.memory_space<vmem>>
      %dma_wait3A_208 = tpu.memref_squeeze %dma_wait3A_207 : memref<1x128x128xf32, #tpu.memory_space<vmem>> -> memref<128x128xf32, #tpu.memory_space<vmem>>
      %dma_wait3A_209 = arith.constant 0 : i32
      %dma_wait3A_210 = tpu.memref_slice %arg5[%dma_wait3A_203, %dma_wait3A_209] : memref<4x128xi32, #tpu.memory_space<vmem>> -> memref<1x128xi32, #tpu.memory_space<vmem>>
      %dma_wait3A_211 = tpu.memref_squeeze %dma_wait3A_210 : memref<1x128xi32, #tpu.memory_space<vmem>> -> memref<128xi32, #tpu.memory_space<vmem>>
      %dma_wait3A_212 = arith.constant 0 : i32
      %dma_wait3A_213 = arith.constant 0 : i32
      %dma_wait3A_214 = tpu.memref_slice %arg2[%dma_wait3A_212, %dma_wait3A_213] : memref<1000000x128xf32, #tpu.memory_space<hbm>> -> memref<1000000x128xf32, #tpu.memory_space<hbm>>
      tpu.wait_indirect_dma semaphore(%arg9 : memref<!tpu.dma_semaphore, #tpu.memory_space<semaphore_mem>>) src(%dma_wait3A_214 : memref<1000000x128xf32, #tpu.memory_space<hbm>>) dst(%dma_wait3A_208 : memref<128x128xf32, #tpu.memory_space<vmem>>)
      %mul3A_215 = arith.constant 128 : i32
      %mul3A_216 = arith.muli %add3A_202, %mul3A_215 : i32
      %add3A_217 = arith.addi %mul3A_2, %mul3A_216 : i32
      %run_scoped3A_218 = arith.constant 2 : i32
      "tpu.region"() ({
        %run_scoped3A_273 = tpu.sem_alloc : memref<!tpu.dma_semaphore, #tpu.memory_space<semaphore_mem>>
        %dma_start3A_274 = arith.constant 0 : i32
        %dma_start3A_275 = arith.constant 0 : i32
        %dma_start3A_276 = tpu.memref_slice %arg6[%run_scoped3A_218, %dma_start3A_274, %dma_start3A_275] : memref<4x128x128xf32, #tpu.memory_space<vmem>> -> memref<1x128x128xf32, #tpu.memory_space<vmem>>
        %dma_start3A_277 = tpu.memref_squeeze %dma_start3A_276 : memref<1x128x128xf32, #tpu.memory_space<vmem>> -> memref<128x128xf32, #tpu.memory_space<vmem>>
        %dma_start3A_278 = arith.constant 0 : i32
        %dma_start3A_279 = tpu.memref_slice %arg4[%add3A_217, %dma_start3A_278] : memref<262144x128xf32, #tpu.memory_space<hbm>> -> memref<128x128xf32, #tpu.memory_space<hbm>>
        %dma_start3A_280 = arith.constant 0 : i32
        %dma_start3A_281 = tpu.memref_slice %arg4[%add3A_217, %dma_start3A_280] : memref<262144x128xf32, #tpu.memory_space<hbm>> -> memref<128x128xf32, #tpu.memory_space<hbm>>
        %dma_start3A_282 = arith.constant 0 : i32
        %dma_start3A_283 = arith.constant 0 : i32
        %dma_start3A_284 = tpu.memref_slice %arg6[%run_scoped3A_218, %dma_start3A_282, %dma_start3A_283] : memref<4x128x128xf32, #tpu.memory_space<vmem>> -> memref<1x128x128xf32, #tpu.memory_space<vmem>>
        %dma_start3A_285 = tpu.memref_squeeze %dma_start3A_284 : memref<1x128x128xf32, #tpu.memory_space<vmem>> -> memref<128x128xf32, #tpu.memory_space<vmem>>
        tpu.enqueue_dma source(%dma_start3A_285 : memref<128x128xf32, #tpu.memory_space<vmem>>) target(%dma_start3A_281 : memref<128x128xf32, #tpu.memory_space<hbm>>) target_semaphore(%run_scoped3A_273 : memref<!tpu.dma_semaphore, #tpu.memory_space<semaphore_mem>>)
        %dma_wait3A_286 = arith.constant 0 : i32
        %dma_wait3A_287 = arith.constant 0 : i32
        %dma_wait3A_288 = tpu.memref_slice %arg6[%run_scoped3A_218, %dma_wait3A_286, %dma_wait3A_287] : memref<4x128x128xf32, #tpu.memory_space<vmem>> -> memref<1x128x128xf32, #tpu.memory_space<vmem>>
        %dma_wait3A_289 = tpu.memref_squeeze %dma_wait3A_288 : memref<1x128x128xf32, #tpu.memory_space<vmem>> -> memref<128x128xf32, #tpu.memory_space<vmem>>
        %dma_wait3A_290 = arith.constant 0 : i32
        %dma_wait3A_291 = tpu.memref_slice %arg4[%add3A_217, %dma_wait3A_290] : memref<262144x128xf32, #tpu.memory_space<hbm>> -> memref<128x128xf32, #tpu.memory_space<hbm>>
        %dma_wait3A_292 = arith.constant 0 : i32
        %dma_wait3A_293 = tpu.memref_slice %arg4[%add3A_217, %dma_wait3A_292] : memref<262144x128xf32, #tpu.memory_space<hbm>> -> memref<128x128xf32, #tpu.memory_space<hbm>>
        %dma_wait3A_294 = arith.constant 0 : i32
        %dma_wait3A_295 = arith.constant 0 : i32
        %dma_wait3A_296 = tpu.memref_slice %arg6[%run_scoped3A_218, %dma_wait3A_294, %dma_wait3A_295] : memref<4x128x128xf32, #tpu.memory_space<vmem>> -> memref<1x128x128xf32, #tpu.memory_space<vmem>>
        %dma_wait3A_297 = tpu.memref_squeeze %dma_wait3A_296 : memref<1x128x128xf32, #tpu.memory_space<vmem>> -> memref<128x128xf32, #tpu.memory_space<vmem>>
        tpu.wait_dma2 semaphore(%run_scoped3A_273 : memref<!tpu.dma_semaphore, #tpu.memory_space<semaphore_mem>>) src(%dma_wait3A_297 : memref<128x128xf32, #tpu.memory_space<vmem>>) dst(%dma_wait3A_293 : memref<128x128xf32, #tpu.memory_space<hbm>>)
        tpu.yield
      }) : () -> ()
      %add3A_219 = arith.constant 4 : i32
      %add3A_220 = arith.addi %add3A_202, %add3A_219 : i32
      %mul3A_221 = arith.constant 128 : i32
      %mul3A_222 = arith.muli %add3A_220, %mul3A_221 : i32
      %add3A_223 = arith.addi %mul3A_2, %mul3A_222 : i32
      %run_scoped3A_224 = arith.constant 2 : i32
      "tpu.region"() ({
        %run_scoped3A_273 = tpu.sem_alloc : memref<!tpu.dma_semaphore, #tpu.memory_space<semaphore_mem>>
        %dma_start3A_274 = arith.constant 0 : i32
        %dma_start3A_275 = tpu.memref_slice %arg5[%run_scoped3A_224, %dma_start3A_274] : memref<4x128xi32, #tpu.memory_space<vmem>> -> memref<1x128xi32, #tpu.memory_space<vmem>>
        %dma_start3A_276 = tpu.memref_squeeze %dma_start3A_275 : memref<1x128xi32, #tpu.memory_space<vmem>> -> memref<128xi32, #tpu.memory_space<vmem>>
        %dma_start3A_277 = tpu.memref_slice %arg3[%add3A_223] : memref<262144xi32, #tpu.memory_space<hbm>> -> memref<128xi32, #tpu.memory_space<hbm>>
        %dma_start3A_278 = arith.constant 0 : i32
        %dma_start3A_279 = tpu.memref_slice %arg5[%run_scoped3A_224, %dma_start3A_278] : memref<4x128xi32, #tpu.memory_space<vmem>> -> memref<1x128xi32, #tpu.memory_space<vmem>>
        %dma_start3A_280 = tpu.memref_squeeze %dma_start3A_279 : memref<1x128xi32, #tpu.memory_space<vmem>> -> memref<128xi32, #tpu.memory_space<vmem>>
        %dma_start3A_281 = tpu.memref_slice %arg3[%add3A_223] : memref<262144xi32, #tpu.memory_space<hbm>> -> memref<128xi32, #tpu.memory_space<hbm>>
        tpu.enqueue_dma source(%dma_start3A_281 : memref<128xi32, #tpu.memory_space<hbm>>) target(%dma_start3A_280 : memref<128xi32, #tpu.memory_space<vmem>>) target_semaphore(%run_scoped3A_273 : memref<!tpu.dma_semaphore, #tpu.memory_space<semaphore_mem>>)
        %dma_wait3A_282 = arith.constant 0 : i32
        %dma_wait3A_283 = tpu.memref_slice %arg5[%run_scoped3A_224, %dma_wait3A_282] : memref<4x128xi32, #tpu.memory_space<vmem>> -> memref<1x128xi32, #tpu.memory_space<vmem>>
        %dma_wait3A_284 = tpu.memref_squeeze %dma_wait3A_283 : memref<1x128xi32, #tpu.memory_space<vmem>> -> memref<128xi32, #tpu.memory_space<vmem>>
        %dma_wait3A_285 = tpu.memref_slice %arg3[%add3A_223] : memref<262144xi32, #tpu.memory_space<hbm>> -> memref<128xi32, #tpu.memory_space<hbm>>
        %dma_wait3A_286 = arith.constant 0 : i32
        %dma_wait3A_287 = tpu.memref_slice %arg5[%run_scoped3A_224, %dma_wait3A_286] : memref<4x128xi32, #tpu.memory_space<vmem>> -> memref<1x128xi32, #tpu.memory_space<vmem>>
        %dma_wait3A_288 = tpu.memref_squeeze %dma_wait3A_287 : memref<1x128xi32, #tpu.memory_space<vmem>> -> memref<128xi32, #tpu.memory_space<vmem>>
        %dma_wait3A_289 = tpu.memref_slice %arg3[%add3A_223] : memref<262144xi32, #tpu.memory_space<hbm>> -> memref<128xi32, #tpu.memory_space<hbm>>
        tpu.wait_dma2 semaphore(%run_scoped3A_273 : memref<!tpu.dma_semaphore, #tpu.memory_space<semaphore_mem>>) src(%dma_wait3A_289 : memref<128xi32, #tpu.memory_space<hbm>>) dst(%dma_wait3A_288 : memref<128xi32, #tpu.memory_space<vmem>>)
        tpu.yield
      }) : () -> ()
      %dma_start3A_225 = arith.constant 2 : i32
      %dma_start3A_226 = arith.constant 2 : i32
      %dma_start3A_227 = arith.constant 0 : i32
      %dma_start3A_228 = arith.constant 0 : i32
      %dma_start3A_229 = tpu.memref_slice %arg6[%dma_start3A_226, %dma_start3A_227, %dma_start3A_228] : memref<4x128x128xf32, #tpu.memory_space<vmem>> -> memref<1x128x128xf32, #tpu.memory_space<vmem>>
      %dma_start3A_230 = tpu.memref_squeeze %dma_start3A_229 : memref<1x128x128xf32, #tpu.memory_space<vmem>> -> memref<128x128xf32, #tpu.memory_space<vmem>>
      %dma_start3A_231 = arith.constant 0 : i32
      %dma_start3A_232 = tpu.memref_slice %arg5[%dma_start3A_225, %dma_start3A_231] : memref<4x128xi32, #tpu.memory_space<vmem>> -> memref<1x128xi32, #tpu.memory_space<vmem>>
      %dma_start3A_233 = tpu.memref_squeeze %dma_start3A_232 : memref<1x128xi32, #tpu.memory_space<vmem>> -> memref<128xi32, #tpu.memory_space<vmem>>
      %dma_start3A_234 = arith.constant 0 : i32
      %dma_start3A_235 = arith.constant 0 : i32
      %dma_start3A_236 = tpu.memref_slice %arg2[%dma_start3A_234, %dma_start3A_235] : memref<1000000x128xf32, #tpu.memory_space<hbm>> -> memref<1000000x128xf32, #tpu.memory_space<hbm>>
      tpu.enqueue_indirect_dma source(%dma_start3A_236 : memref<1000000x128xf32, #tpu.memory_space<hbm>>) target(%dma_start3A_230 : memref<128x128xf32, #tpu.memory_space<vmem>>) offsets(%dma_start3A_233 : memref<128xi32, #tpu.memory_space<vmem>>) semaphore(%arg9 : memref<!tpu.dma_semaphore, #tpu.memory_space<semaphore_mem>>)
      %add3A_237 = arith.constant 3 : i32
      %add3A_238 = arith.addi %add3A_128, %add3A_237 : i32
      %dma_wait3A_239 = arith.constant 3 : i32
      %dma_wait3A_240 = arith.constant 3 : i32
      %dma_wait3A_241 = arith.constant 0 : i32
      %dma_wait3A_242 = arith.constant 0 : i32
      %dma_wait3A_243 = tpu.memref_slice %arg6[%dma_wait3A_240, %dma_wait3A_241, %dma_wait3A_242] : memref<4x128x128xf32, #tpu.memory_space<vmem>> -> memref<1x128x128xf32, #tpu.memory_space<vmem>>
      %dma_wait3A_244 = tpu.memref_squeeze %dma_wait3A_243 : memref<1x128x128xf32, #tpu.memory_space<vmem>> -> memref<128x128xf32, #tpu.memory_space<vmem>>
      %dma_wait3A_245 = arith.constant 0 : i32
      %dma_wait3A_246 = tpu.memref_slice %arg5[%dma_wait3A_239, %dma_wait3A_245] : memref<4x128xi32, #tpu.memory_space<vmem>> -> memref<1x128xi32, #tpu.memory_space<vmem>>
      %dma_wait3A_247 = tpu.memref_squeeze %dma_wait3A_246 : memref<1x128xi32, #tpu.memory_space<vmem>> -> memref<128xi32, #tpu.memory_space<vmem>>
      %dma_wait3A_248 = arith.constant 0 : i32
      %dma_wait3A_249 = arith.constant 0 : i32
      %dma_wait3A_250 = tpu.memref_slice %arg2[%dma_wait3A_248, %dma_wait3A_249] : memref<1000000x128xf32, #tpu.memory_space<hbm>> -> memref<1000000x128xf32, #tpu.memory_space<hbm>>
      tpu.wait_indirect_dma semaphore(%arg10 : memref<!tpu.dma_semaphore, #tpu.memory_space<semaphore_mem>>) src(%dma_wait3A_250 : memref<1000000x128xf32, #tpu.memory_space<hbm>>) dst(%dma_wait3A_244 : memref<128x128xf32, #tpu.memory_space<vmem>>)
      %mul3A_251 = arith.constant 128 : i32
      %mul3A_252 = arith.muli %add3A_238, %mul3A_251 : i32
      %add3A_253 = arith.addi %mul3A_2, %mul3A_252 : i32
      %run_scoped3A_254 = arith.constant 3 : i32
      "tpu.region"() ({
        %run_scoped3A_273 = tpu.sem_alloc : memref<!tpu.dma_semaphore, #tpu.memory_space<semaphore_mem>>
        %dma_start3A_274 = arith.constant 0 : i32
        %dma_start3A_275 = arith.constant 0 : i32
        %dma_start3A_276 = tpu.memref_slice %arg6[%run_scoped3A_254, %dma_start3A_274, %dma_start3A_275] : memref<4x128x128xf32, #tpu.memory_space<vmem>> -> memref<1x128x128xf32, #tpu.memory_space<vmem>>
        %dma_start3A_277 = tpu.memref_squeeze %dma_start3A_276 : memref<1x128x128xf32, #tpu.memory_space<vmem>> -> memref<128x128xf32, #tpu.memory_space<vmem>>
        %dma_start3A_278 = arith.constant 0 : i32
        %dma_start3A_279 = tpu.memref_slice %arg4[%add3A_253, %dma_start3A_278] : memref<262144x128xf32, #tpu.memory_space<hbm>> -> memref<128x128xf32, #tpu.memory_space<hbm>>
        %dma_start3A_280 = arith.constant 0 : i32
        %dma_start3A_281 = tpu.memref_slice %arg4[%add3A_253, %dma_start3A_280] : memref<262144x128xf32, #tpu.memory_space<hbm>> -> memref<128x128xf32, #tpu.memory_space<hbm>>
        %dma_start3A_282 = arith.constant 0 : i32
        %dma_start3A_283 = arith.constant 0 : i32
        %dma_start3A_284 = tpu.memref_slice %arg6[%run_scoped3A_254, %dma_start3A_282, %dma_start3A_283] : memref<4x128x128xf32, #tpu.memory_space<vmem>> -> memref<1x128x128xf32, #tpu.memory_space<vmem>>
        %dma_start3A_285 = tpu.memref_squeeze %dma_start3A_284 : memref<1x128x128xf32, #tpu.memory_space<vmem>> -> memref<128x128xf32, #tpu.memory_space<vmem>>
        tpu.enqueue_dma source(%dma_start3A_285 : memref<128x128xf32, #tpu.memory_space<vmem>>) target(%dma_start3A_281 : memref<128x128xf32, #tpu.memory_space<hbm>>) target_semaphore(%run_scoped3A_273 : memref<!tpu.dma_semaphore, #tpu.memory_space<semaphore_mem>>)
        %dma_wait3A_286 = arith.constant 0 : i32
        %dma_wait3A_287 = arith.constant 0 : i32
        %dma_wait3A_288 = tpu.memref_slice %arg6[%run_scoped3A_254, %dma_wait3A_286, %dma_wait3A_287] : memref<4x128x128xf32, #tpu.memory_space<vmem>> -> memref<1x128x128xf32, #tpu.memory_space<vmem>>
        %dma_wait3A_289 = tpu.memref_squeeze %dma_wait3A_288 : memref<1x128x128xf32, #tpu.memory_space<vmem>> -> memref<128x128xf32, #tpu.memory_space<vmem>>
        %dma_wait3A_290 = arith.constant 0 : i32
        %dma_wait3A_291 = tpu.memref_slice %arg4[%add3A_253, %dma_wait3A_290] : memref<262144x128xf32, #tpu.memory_space<hbm>> -> memref<128x128xf32, #tpu.memory_space<hbm>>
        %dma_wait3A_292 = arith.constant 0 : i32
        %dma_wait3A_293 = tpu.memref_slice %arg4[%add3A_253, %dma_wait3A_292] : memref<262144x128xf32, #tpu.memory_space<hbm>> -> memref<128x128xf32, #tpu.memory_space<hbm>>
        %dma_wait3A_294 = arith.constant 0 : i32
        %dma_wait3A_295 = arith.constant 0 : i32
        %dma_wait3A_296 = tpu.memref_slice %arg6[%run_scoped3A_254, %dma_wait3A_294, %dma_wait3A_295] : memref<4x128x128xf32, #tpu.memory_space<vmem>> -> memref<1x128x128xf32, #tpu.memory_space<vmem>>
        %dma_wait3A_297 = tpu.memref_squeeze %dma_wait3A_296 : memref<1x128x128xf32, #tpu.memory_space<vmem>> -> memref<128x128xf32, #tpu.memory_space<vmem>>
        tpu.wait_dma2 semaphore(%run_scoped3A_273 : memref<!tpu.dma_semaphore, #tpu.memory_space<semaphore_mem>>) src(%dma_wait3A_297 : memref<128x128xf32, #tpu.memory_space<vmem>>) dst(%dma_wait3A_293 : memref<128x128xf32, #tpu.memory_space<hbm>>)
        tpu.yield
      }) : () -> ()
      %add3A_255 = arith.constant 4 : i32
      %add3A_256 = arith.addi %add3A_238, %add3A_255 : i32
      %mul3A_257 = arith.constant 128 : i32
      %mul3A_258 = arith.muli %add3A_256, %mul3A_257 : i32
      %add3A_259 = arith.addi %mul3A_2, %mul3A_258 : i32
      %run_scoped3A_260 = arith.constant 3 : i32
      "tpu.region"() ({
        %run_scoped3A_273 = tpu.sem_alloc : memref<!tpu.dma_semaphore, #tpu.memory_space<semaphore_mem>>
        %dma_start3A_274 = arith.constant 0 : i32
        %dma_start3A_275 = tpu.memref_slice %arg5[%run_scoped3A_260, %dma_start3A_274] : memref<4x128xi32, #tpu.memory_space<vmem>> -> memref<1x128xi32, #tpu.memory_space<vmem>>
        %dma_start3A_276 = tpu.memref_squeeze %dma_start3A_275 : memref<1x128xi32, #tpu.memory_space<vmem>> -> memref<128xi32, #tpu.memory_space<vmem>>
        %dma_start3A_277 = tpu.memref_slice %arg3[%add3A_259] : memref<262144xi32, #tpu.memory_space<hbm>> -> memref<128xi32, #tpu.memory_space<hbm>>
        %dma_start3A_278 = arith.constant 0 : i32
        %dma_start3A_279 = tpu.memref_slice %arg5[%run_scoped3A_260, %dma_start3A_278] : memref<4x128xi32, #tpu.memory_space<vmem>> -> memref<1x128xi32, #tpu.memory_space<vmem>>
        %dma_start3A_280 = tpu.memref_squeeze %dma_start3A_279 : memref<1x128xi32, #tpu.memory_space<vmem>> -> memref<128xi32, #tpu.memory_space<vmem>>
        %dma_start3A_281 = tpu.memref_slice %arg3[%add3A_259] : memref<262144xi32, #tpu.memory_space<hbm>> -> memref<128xi32, #tpu.memory_space<hbm>>
        tpu.enqueue_dma source(%dma_start3A_281 : memref<128xi32, #tpu.memory_space<hbm>>) target(%dma_start3A_280 : memref<128xi32, #tpu.memory_space<vmem>>) target_semaphore(%run_scoped3A_273 : memref<!tpu.dma_semaphore, #tpu.memory_space<semaphore_mem>>)
        %dma_wait3A_282 = arith.constant 0 : i32
        %dma_wait3A_283 = tpu.memref_slice %arg5[%run_scoped3A_260, %dma_wait3A_282] : memref<4x128xi32, #tpu.memory_space<vmem>> -> memref<1x128xi32, #tpu.memory_space<vmem>>
        %dma_wait3A_284 = tpu.memref_squeeze %dma_wait3A_283 : memref<1x128xi32, #tpu.memory_space<vmem>> -> memref<128xi32, #tpu.memory_space<vmem>>
        %dma_wait3A_285 = tpu.memref_slice %arg3[%add3A_259] : memref<262144xi32, #tpu.memory_space<hbm>> -> memref<128xi32, #tpu.memory_space<hbm>>
        %dma_wait3A_286 = arith.constant 0 : i32
        %dma_wait3A_287 = tpu.memref_slice %arg5[%run_scoped3A_260, %dma_wait3A_286] : memref<4x128xi32, #tpu.memory_space<vmem>> -> memref<1x128xi32, #tpu.memory_space<vmem>>
        %dma_wait3A_288 = tpu.memref_squeeze %dma_wait3A_287 : memref<1x128xi32, #tpu.memory_space<vmem>> -> memref<128xi32, #tpu.memory_space<vmem>>
        %dma_wait3A_289 = tpu.memref_slice %arg3[%add3A_259] : memref<262144xi32, #tpu.memory_space<hbm>> -> memref<128xi32, #tpu.memory_space<hbm>>
        tpu.wait_dma2 semaphore(%run_scoped3A_273 : memref<!tpu.dma_semaphore, #tpu.memory_space<semaphore_mem>>) src(%dma_wait3A_289 : memref<128xi32, #tpu.memory_space<hbm>>) dst(%dma_wait3A_288 : memref<128xi32, #tpu.memory_space<vmem>>)
        tpu.yield
      }) : () -> ()
      %dma_start3A_261 = arith.constant 3 : i32
      %dma_start3A_262 = arith.constant 3 : i32
      %dma_start3A_263 = arith.constant 0 : i32
      %dma_start3A_264 = arith.constant 0 : i32
      %dma_start3A_265 = tpu.memref_slice %arg6[%dma_start3A_262, %dma_start3A_263, %dma_start3A_264] : memref<4x128x128xf32, #tpu.memory_space<vmem>> -> memref<1x128x128xf32, #tpu.memory_space<vmem>>
      %dma_start3A_266 = tpu.memref_squeeze %dma_start3A_265 : memref<1x128x128xf32, #tpu.memory_space<vmem>> -> memref<128x128xf32, #tpu.memory_space<vmem>>
      %dma_start3A_267 = arith.constant 0 : i32
      %dma_start3A_268 = tpu.memref_slice %arg5[%dma_start3A_261, %dma_start3A_267] : memref<4x128xi32, #tpu.memory_space<vmem>> -> memref<1x128xi32, #tpu.memory_space<vmem>>
      %dma_start3A_269 = tpu.memref_squeeze %dma_start3A_268 : memref<1x128xi32, #tpu.memory_space<vmem>> -> memref<128xi32, #tpu.memory_space<vmem>>
      %dma_start3A_270 = arith.constant 0 : i32
      %dma_start3A_271 = arith.constant 0 : i32
      %dma_start3A_272 = tpu.memref_slice %arg2[%dma_start3A_270, %dma_start3A_271] : memref<1000000x128xf32, #tpu.memory_space<hbm>> -> memref<1000000x128xf32, #tpu.memory_space<hbm>>
      tpu.enqueue_indirect_dma source(%dma_start3A_272 : memref<1000000x128xf32, #tpu.memory_space<hbm>>) target(%dma_start3A_266 : memref<128x128xf32, #tpu.memory_space<vmem>>) offsets(%dma_start3A_269 : memref<128xi32, #tpu.memory_space<vmem>>) semaphore(%arg10 : memref<!tpu.dma_semaphore, #tpu.memory_space<semaphore_mem>>)
    }
    %scan3A_64 = arith.constant 15 : i32
    %dma_wait3A = arith.constant 0 : i32
    %dma_wait3A_65 = arith.constant 0 : i32
    %dma_wait3A_66 = arith.constant 0 : i32
    %dma_wait3A_67 = arith.constant 0 : i32
    %dma_wait3A_68 = tpu.memref_slice %arg6[%dma_wait3A_65, %dma_wait3A_66, %dma_wait3A_67] : memref<4x128x128xf32, #tpu.memory_space<vmem>> -> memref<1x128x128xf32, #tpu.memory_space<vmem>>
    %dma_wait3A_69 = tpu.memref_squeeze %dma_wait3A_68 : memref<1x128x128xf32, #tpu.memory_space<vmem>> -> memref<128x128xf32, #tpu.memory_space<vmem>>
    %dma_wait3A_70 = arith.constant 0 : i32
    %dma_wait3A_71 = tpu.memref_slice %arg5[%dma_wait3A, %dma_wait3A_70] : memref<4x128xi32, #tpu.memory_space<vmem>> -> memref<1x128xi32, #tpu.memory_space<vmem>>
    %dma_wait3A_72 = tpu.memref_squeeze %dma_wait3A_71 : memref<1x128xi32, #tpu.memory_space<vmem>> -> memref<128xi32, #tpu.memory_space<vmem>>
    %dma_wait3A_73 = arith.constant 0 : i32
    %dma_wait3A_74 = arith.constant 0 : i32
    %dma_wait3A_75 = tpu.memref_slice %arg2[%dma_wait3A_73, %dma_wait3A_74] : memref<1000000x128xf32, #tpu.memory_space<hbm>> -> memref<1000000x128xf32, #tpu.memory_space<hbm>>
    tpu.wait_indirect_dma semaphore(%arg7 : memref<!tpu.dma_semaphore, #tpu.memory_space<semaphore_mem>>) src(%dma_wait3A_75 : memref<1000000x128xf32, #tpu.memory_space<hbm>>) dst(%dma_wait3A_69 : memref<128x128xf32, #tpu.memory_space<vmem>>)
    %add3A_76 = arith.constant 7680 : i32
    %add3A_77 = arith.addi %mul3A_2, %add3A_76 : i32
    %run_scoped3A_78 = arith.constant 0 : i32
    "tpu.region"() ({
      %run_scoped3A_124 = tpu.sem_alloc : memref<!tpu.dma_semaphore, #tpu.memory_space<semaphore_mem>>
      %dma_start3A_125 = arith.constant 0 : i32
      %dma_start3A_126 = arith.constant 0 : i32
      %dma_start3A_127 = tpu.memref_slice %arg6[%run_scoped3A_78, %dma_start3A_125, %dma_start3A_126] : memref<4x128x128xf32, #tpu.memory_space<vmem>> -> memref<1x128x128xf32, #tpu.memory_space<vmem>>
      %dma_start3A_128 = tpu.memref_squeeze %dma_start3A_127 : memref<1x128x128xf32, #tpu.memory_space<vmem>> -> memref<128x128xf32, #tpu.memory_space<vmem>>
      %dma_start3A_129 = arith.constant 0 : i32
      %dma_start3A_130 = tpu.memref_slice %arg4[%add3A_77, %dma_start3A_129] : memref<262144x128xf32, #tpu.memory_space<hbm>> -> memref<128x128xf32, #tpu.memory_space<hbm>>
      %dma_start3A_131 = arith.constant 0 : i32
      %dma_start3A_132 = tpu.memref_slice %arg4[%add3A_77, %dma_start3A_131] : memref<262144x128xf32, #tpu.memory_space<hbm>> -> memref<128x128xf32, #tpu.memory_space<hbm>>
      %dma_start3A_133 = arith.constant 0 : i32
      %dma_start3A_134 = arith.constant 0 : i32
      %dma_start3A_135 = tpu.memref_slice %arg6[%run_scoped3A_78, %dma_start3A_133, %dma_start3A_134] : memref<4x128x128xf32, #tpu.memory_space<vmem>> -> memref<1x128x128xf32, #tpu.memory_space<vmem>>
      %dma_start3A_136 = tpu.memref_squeeze %dma_start3A_135 : memref<1x128x128xf32, #tpu.memory_space<vmem>> -> memref<128x128xf32, #tpu.memory_space<vmem>>
      tpu.enqueue_dma source(%dma_start3A_136 : memref<128x128xf32, #tpu.memory_space<vmem>>) target(%dma_start3A_132 : memref<128x128xf32, #tpu.memory_space<hbm>>) target_semaphore(%run_scoped3A_124 : memref<!tpu.dma_semaphore, #tpu.memory_space<semaphore_mem>>)
      %dma_wait3A_137 = arith.constant 0 : i32
      %dma_wait3A_138 = arith.constant 0 : i32
      %dma_wait3A_139 = tpu.memref_slice %arg6[%run_scoped3A_78, %dma_wait3A_137, %dma_wait3A_138] : memref<4x128x128xf32, #tpu.memory_space<vmem>> -> memref<1x128x128xf32, #tpu.memory_space<vmem>>
      %dma_wait3A_140 = tpu.memref_squeeze %dma_wait3A_139 : memref<1x128x128xf32, #tpu.memory_space<vmem>> -> memref<128x128xf32, #tpu.memory_space<vmem>>
      %dma_wait3A_141 = arith.constant 0 : i32
      %dma_wait3A_142 = tpu.memref_slice %arg4[%add3A_77, %dma_wait3A_141] : memref<262144x128xf32, #tpu.memory_space<hbm>> -> memref<128x128xf32, #tpu.memory_space<hbm>>
      %dma_wait3A_143 = arith.constant 0 : i32
      %dma_wait3A_144 = tpu.memref_slice %arg4[%add3A_77, %dma_wait3A_143] : memref<262144x128xf32, #tpu.memory_space<hbm>> -> memref<128x128xf32, #tpu.memory_space<hbm>>
      %dma_wait3A_145 = arith.constant 0 : i32
      %dma_wait3A_146 = arith.constant 0 : i32
      %dma_wait3A_147 = tpu.memref_slice %arg6[%run_scoped3A_78, %dma_wait3A_145, %dma_wait3A_146] : memref<4x128x128xf32, #tpu.memory_space<vmem>> -> memref<1x128x128xf32, #tpu.memory_space<vmem>>
      %dma_wait3A_148 = tpu.memref_squeeze %dma_wait3A_147 : memref<1x128x128xf32, #tpu.memory_space<vmem>> -> memref<128x128xf32, #tpu.memory_space<vmem>>
      tpu.wait_dma2 semaphore(%run_scoped3A_124 : memref<!tpu.dma_semaphore, #tpu.memory_space<semaphore_mem>>) src(%dma_wait3A_148 : memref<128x128xf32, #tpu.memory_space<vmem>>) dst(%dma_wait3A_144 : memref<128x128xf32, #tpu.memory_space<hbm>>)
      tpu.yield
    }) : () -> ()
    %dma_wait3A_79 = arith.constant 1 : i32
    %dma_wait3A_80 = arith.constant 1 : i32
    %dma_wait3A_81 = arith.constant 0 : i32
    %dma_wait3A_82 = arith.constant 0 : i32
    %dma_wait3A_83 = tpu.memref_slice %arg6[%dma_wait3A_80, %dma_wait3A_81, %dma_wait3A_82] : memref<4x128x128xf32, #tpu.memory_space<vmem>> -> memref<1x128x128xf32, #tpu.memory_space<vmem>>
    %dma_wait3A_84 = tpu.memref_squeeze %dma_wait3A_83 : memref<1x128x128xf32, #tpu.memory_space<vmem>> -> memref<128x128xf32, #tpu.memory_space<vmem>>
    %dma_wait3A_85 = arith.constant 0 : i32
    %dma_wait3A_86 = tpu.memref_slice %arg5[%dma_wait3A_79, %dma_wait3A_85] : memref<4x128xi32, #tpu.memory_space<vmem>> -> memref<1x128xi32, #tpu.memory_space<vmem>>
    %dma_wait3A_87 = tpu.memref_squeeze %dma_wait3A_86 : memref<1x128xi32, #tpu.memory_space<vmem>> -> memref<128xi32, #tpu.memory_space<vmem>>
    %dma_wait3A_88 = arith.constant 0 : i32
    %dma_wait3A_89 = arith.constant 0 : i32
    %dma_wait3A_90 = tpu.memref_slice %arg2[%dma_wait3A_88, %dma_wait3A_89] : memref<1000000x128xf32, #tpu.memory_space<hbm>> -> memref<1000000x128xf32, #tpu.memory_space<hbm>>
    tpu.wait_indirect_dma semaphore(%arg8 : memref<!tpu.dma_semaphore, #tpu.memory_space<semaphore_mem>>) src(%dma_wait3A_90 : memref<1000000x128xf32, #tpu.memory_space<hbm>>) dst(%dma_wait3A_84 : memref<128x128xf32, #tpu.memory_space<vmem>>)
    %add3A_91 = arith.constant 7808 : i32
    %add3A_92 = arith.addi %mul3A_2, %add3A_91 : i32
    %run_scoped3A_93 = arith.constant 1 : i32
    "tpu.region"() ({
      %run_scoped3A_124 = tpu.sem_alloc : memref<!tpu.dma_semaphore, #tpu.memory_space<semaphore_mem>>
      %dma_start3A_125 = arith.constant 0 : i32
      %dma_start3A_126 = arith.constant 0 : i32
      %dma_start3A_127 = tpu.memref_slice %arg6[%run_scoped3A_93, %dma_start3A_125, %dma_start3A_126] : memref<4x128x128xf32, #tpu.memory_space<vmem>> -> memref<1x128x128xf32, #tpu.memory_space<vmem>>
      %dma_start3A_128 = tpu.memref_squeeze %dma_start3A_127 : memref<1x128x128xf32, #tpu.memory_space<vmem>> -> memref<128x128xf32, #tpu.memory_space<vmem>>
      %dma_start3A_129 = arith.constant 0 : i32
      %dma_start3A_130 = tpu.memref_slice %arg4[%add3A_92, %dma_start3A_129] : memref<262144x128xf32, #tpu.memory_space<hbm>> -> memref<128x128xf32, #tpu.memory_space<hbm>>
      %dma_start3A_131 = arith.constant 0 : i32
      %dma_start3A_132 = tpu.memref_slice %arg4[%add3A_92, %dma_start3A_131] : memref<262144x128xf32, #tpu.memory_space<hbm>> -> memref<128x128xf32, #tpu.memory_space<hbm>>
      %dma_start3A_133 = arith.constant 0 : i32
      %dma_start3A_134 = arith.constant 0 : i32
      %dma_start3A_135 = tpu.memref_slice %arg6[%run_scoped3A_93, %dma_start3A_133, %dma_start3A_134] : memref<4x128x128xf32, #tpu.memory_space<vmem>> -> memref<1x128x128xf32, #tpu.memory_space<vmem>>
      %dma_start3A_136 = tpu.memref_squeeze %dma_start3A_135 : memref<1x128x128xf32, #tpu.memory_space<vmem>> -> memref<128x128xf32, #tpu.memory_space<vmem>>
      tpu.enqueue_dma source(%dma_start3A_136 : memref<128x128xf32, #tpu.memory_space<vmem>>) target(%dma_start3A_132 : memref<128x128xf32, #tpu.memory_space<hbm>>) target_semaphore(%run_scoped3A_124 : memref<!tpu.dma_semaphore, #tpu.memory_space<semaphore_mem>>)
      %dma_wait3A_137 = arith.constant 0 : i32
      %dma_wait3A_138 = arith.constant 0 : i32
      %dma_wait3A_139 = tpu.memref_slice %arg6[%run_scoped3A_93, %dma_wait3A_137, %dma_wait3A_138] : memref<4x128x128xf32, #tpu.memory_space<vmem>> -> memref<1x128x128xf32, #tpu.memory_space<vmem>>
      %dma_wait3A_140 = tpu.memref_squeeze %dma_wait3A_139 : memref<1x128x128xf32, #tpu.memory_space<vmem>> -> memref<128x128xf32, #tpu.memory_space<vmem>>
      %dma_wait3A_141 = arith.constant 0 : i32
      %dma_wait3A_142 = tpu.memref_slice %arg4[%add3A_92, %dma_wait3A_141] : memref<262144x128xf32, #tpu.memory_space<hbm>> -> memref<128x128xf32, #tpu.memory_space<hbm>>
      %dma_wait3A_143 = arith.constant 0 : i32
      %dma_wait3A_144 = tpu.memref_slice %arg4[%add3A_92, %dma_wait3A_143] : memref<262144x128xf32, #tpu.memory_space<hbm>> -> memref<128x128xf32, #tpu.memory_space<hbm>>
      %dma_wait3A_145 = arith.constant 0 : i32
      %dma_wait3A_146 = arith.constant 0 : i32
      %dma_wait3A_147 = tpu.memref_slice %arg6[%run_scoped3A_93, %dma_wait3A_145, %dma_wait3A_146] : memref<4x128x128xf32, #tpu.memory_space<vmem>> -> memref<1x128x128xf32, #tpu.memory_space<vmem>>
      %dma_wait3A_148 = tpu.memref_squeeze %dma_wait3A_147 : memref<1x128x128xf32, #tpu.memory_space<vmem>> -> memref<128x128xf32, #tpu.memory_space<vmem>>
      tpu.wait_dma2 semaphore(%run_scoped3A_124 : memref<!tpu.dma_semaphore, #tpu.memory_space<semaphore_mem>>) src(%dma_wait3A_148 : memref<128x128xf32, #tpu.memory_space<vmem>>) dst(%dma_wait3A_144 : memref<128x128xf32, #tpu.memory_space<hbm>>)
      tpu.yield
    }) : () -> ()
    %dma_wait3A_94 = arith.constant 2 : i32
    %dma_wait3A_95 = arith.constant 2 : i32
    %dma_wait3A_96 = arith.constant 0 : i32
    %dma_wait3A_97 = arith.constant 0 : i32
    %dma_wait3A_98 = tpu.memref_slice %arg6[%dma_wait3A_95, %dma_wait3A_96, %dma_wait3A_97] : memref<4x128x128xf32, #tpu.memory_space<vmem>> -> memref<1x128x128xf32, #tpu.memory_space<vmem>>
    %dma_wait3A_99 = tpu.memref_squeeze %dma_wait3A_98 : memref<1x128x128xf32, #tpu.memory_space<vmem>> -> memref<128x128xf32, #tpu.memory_space<vmem>>
    %dma_wait3A_100 = arith.constant 0 : i32
    %dma_wait3A_101 = tpu.memref_slice %arg5[%dma_wait3A_94, %dma_wait3A_100] : memref<4x128xi32, #tpu.memory_space<vmem>> -> memref<1x128xi32, #tpu.memory_space<vmem>>
    %dma_wait3A_102 = tpu.memref_squeeze %dma_wait3A_101 : memref<1x128xi32, #tpu.memory_space<vmem>> -> memref<128xi32, #tpu.memory_space<vmem>>
    %dma_wait3A_103 = arith.constant 0 : i32
    %dma_wait3A_104 = arith.constant 0 : i32
    %dma_wait3A_105 = tpu.memref_slice %arg2[%dma_wait3A_103, %dma_wait3A_104] : memref<1000000x128xf32, #tpu.memory_space<hbm>> -> memref<1000000x128xf32, #tpu.memory_space<hbm>>
    tpu.wait_indirect_dma semaphore(%arg9 : memref<!tpu.dma_semaphore, #tpu.memory_space<semaphore_mem>>) src(%dma_wait3A_105 : memref<1000000x128xf32, #tpu.memory_space<hbm>>) dst(%dma_wait3A_99 : memref<128x128xf32, #tpu.memory_space<vmem>>)
    %add3A_106 = arith.constant 7936 : i32
    %add3A_107 = arith.addi %mul3A_2, %add3A_106 : i32
    %run_scoped3A_108 = arith.constant 2 : i32
    "tpu.region"() ({
      %run_scoped3A_124 = tpu.sem_alloc : memref<!tpu.dma_semaphore, #tpu.memory_space<semaphore_mem>>
      %dma_start3A_125 = arith.constant 0 : i32
      %dma_start3A_126 = arith.constant 0 : i32
      %dma_start3A_127 = tpu.memref_slice %arg6[%run_scoped3A_108, %dma_start3A_125, %dma_start3A_126] : memref<4x128x128xf32, #tpu.memory_space<vmem>> -> memref<1x128x128xf32, #tpu.memory_space<vmem>>
      %dma_start3A_128 = tpu.memref_squeeze %dma_start3A_127 : memref<1x128x128xf32, #tpu.memory_space<vmem>> -> memref<128x128xf32, #tpu.memory_space<vmem>>
      %dma_start3A_129 = arith.constant 0 : i32
      %dma_start3A_130 = tpu.memref_slice %arg4[%add3A_107, %dma_start3A_129] : memref<262144x128xf32, #tpu.memory_space<hbm>> -> memref<128x128xf32, #tpu.memory_space<hbm>>
      %dma_start3A_131 = arith.constant 0 : i32
      %dma_start3A_132 = tpu.memref_slice %arg4[%add3A_107, %dma_start3A_131] : memref<262144x128xf32, #tpu.memory_space<hbm>> -> memref<128x128xf32, #tpu.memory_space<hbm>>
      %dma_start3A_133 = arith.constant 0 : i32
      %dma_start3A_134 = arith.constant 0 : i32
      %dma_start3A_135 = tpu.memref_slice %arg6[%run_scoped3A_108, %dma_start3A_133, %dma_start3A_134] : memref<4x128x128xf32, #tpu.memory_space<vmem>> -> memref<1x128x128xf32, #tpu.memory_space<vmem>>
      %dma_start3A_136 = tpu.memref_squeeze %dma_start3A_135 : memref<1x128x128xf32, #tpu.memory_space<vmem>> -> memref<128x128xf32, #tpu.memory_space<vmem>>
      tpu.enqueue_dma source(%dma_start3A_136 : memref<128x128xf32, #tpu.memory_space<vmem>>) target(%dma_start3A_132 : memref<128x128xf32, #tpu.memory_space<hbm>>) target_semaphore(%run_scoped3A_124 : memref<!tpu.dma_semaphore, #tpu.memory_space<semaphore_mem>>)
      %dma_wait3A_137 = arith.constant 0 : i32
      %dma_wait3A_138 = arith.constant 0 : i32
      %dma_wait3A_139 = tpu.memref_slice %arg6[%run_scoped3A_108, %dma_wait3A_137, %dma_wait3A_138] : memref<4x128x128xf32, #tpu.memory_space<vmem>> -> memref<1x128x128xf32, #tpu.memory_space<vmem>>
      %dma_wait3A_140 = tpu.memref_squeeze %dma_wait3A_139 : memref<1x128x128xf32, #tpu.memory_space<vmem>> -> memref<128x128xf32, #tpu.memory_space<vmem>>
      %dma_wait3A_141 = arith.constant 0 : i32
      %dma_wait3A_142 = tpu.memref_slice %arg4[%add3A_107, %dma_wait3A_141] : memref<262144x128xf32, #tpu.memory_space<hbm>> -> memref<128x128xf32, #tpu.memory_space<hbm>>
      %dma_wait3A_143 = arith.constant 0 : i32
      %dma_wait3A_144 = tpu.memref_slice %arg4[%add3A_107, %dma_wait3A_143] : memref<262144x128xf32, #tpu.memory_space<hbm>> -> memref<128x128xf32, #tpu.memory_space<hbm>>
      %dma_wait3A_145 = arith.constant 0 : i32
      %dma_wait3A_146 = arith.constant 0 : i32
      %dma_wait3A_147 = tpu.memref_slice %arg6[%run_scoped3A_108, %dma_wait3A_145, %dma_wait3A_146] : memref<4x128x128xf32, #tpu.memory_space<vmem>> -> memref<1x128x128xf32, #tpu.memory_space<vmem>>
      %dma_wait3A_148 = tpu.memref_squeeze %dma_wait3A_147 : memref<1x128x128xf32, #tpu.memory_space<vmem>> -> memref<128x128xf32, #tpu.memory_space<vmem>>
      tpu.wait_dma2 semaphore(%run_scoped3A_124 : memref<!tpu.dma_semaphore, #tpu.memory_space<semaphore_mem>>) src(%dma_wait3A_148 : memref<128x128xf32, #tpu.memory_space<vmem>>) dst(%dma_wait3A_144 : memref<128x128xf32, #tpu.memory_space<hbm>>)
      tpu.yield
    }) : () -> ()
    %dma_wait3A_109 = arith.constant 3 : i32
    %dma_wait3A_110 = arith.constant 3 : i32
    %dma_wait3A_111 = arith.constant 0 : i32
    %dma_wait3A_112 = arith.constant 0 : i32
    %dma_wait3A_113 = tpu.memref_slice %arg6[%dma_wait3A_110, %dma_wait3A_111, %dma_wait3A_112] : memref<4x128x128xf32, #tpu.memory_space<vmem>> -> memref<1x128x128xf32, #tpu.memory_space<vmem>>
    %dma_wait3A_114 = tpu.memref_squeeze %dma_wait3A_113 : memref<1x128x128xf32, #tpu.memory_space<vmem>> -> memref<128x128xf32, #tpu.memory_space<vmem>>
    %dma_wait3A_115 = arith.constant 0 : i32
    %dma_wait3A_116 = tpu.memref_slice %arg5[%dma_wait3A_109, %dma_wait3A_115] : memref<4x128xi32, #tpu.memory_space<vmem>> -> memref<1x128xi32, #tpu.memory_space<vmem>>
    %dma_wait3A_117 = tpu.memref_squeeze %dma_wait3A_116 : memref<1x128xi32, #tpu.memory_space<vmem>> -> memref<128xi32, #tpu.memory_space<vmem>>
    %dma_wait3A_118 = arith.constant 0 : i32
    %dma_wait3A_119 = arith.constant 0 : i32
    %dma_wait3A_120 = tpu.memref_slice %arg2[%dma_wait3A_118, %dma_wait3A_119] : memref<1000000x128xf32, #tpu.memory_space<hbm>> -> memref<1000000x128xf32, #tpu.memory_space<hbm>>
    tpu.wait_indirect_dma semaphore(%arg10 : memref<!tpu.dma_semaphore, #tpu.memory_space<semaphore_mem>>) src(%dma_wait3A_120 : memref<1000000x128xf32, #tpu.memory_space<hbm>>) dst(%dma_wait3A_114 : memref<128x128xf32, #tpu.memory_space<vmem>>)
    %add3A_121 = arith.constant 8064 : i32
    %add3A_122 = arith.addi %mul3A_2, %add3A_121 : i32
    %run_scoped3A_123 = arith.constant 3 : i32
    "tpu.region"() ({
      %run_scoped3A_124 = tpu.sem_alloc : memref<!tpu.dma_semaphore, #tpu.memory_space<semaphore_mem>>
      %dma_start3A_125 = arith.constant 0 : i32
      %dma_start3A_126 = arith.constant 0 : i32
      %dma_start3A_127 = tpu.memref_slice %arg6[%run_scoped3A_123, %dma_start3A_125, %dma_start3A_126] : memref<4x128x128xf32, #tpu.memory_space<vmem>> -> memref<1x128x128xf32, #tpu.memory_space<vmem>>
      %dma_start3A_128 = tpu.memref_squeeze %dma_start3A_127 : memref<1x128x128xf32, #tpu.memory_space<vmem>> -> memref<128x128xf32, #tpu.memory_space<vmem>>
      %dma_start3A_129 = arith.constant 0 : i32
      %dma_start3A_130 = tpu.memref_slice %arg4[%add3A_122, %dma_start3A_129] : memref<262144x128xf32, #tpu.memory_space<hbm>> -> memref<128x128xf32, #tpu.memory_space<hbm>>
      %dma_start3A_131 = arith.constant 0 : i32
      %dma_start3A_132 = tpu.memref_slice %arg4[%add3A_122, %dma_start3A_131] : memref<262144x128xf32, #tpu.memory_space<hbm>> -> memref<128x128xf32, #tpu.memory_space<hbm>>
      %dma_start3A_133 = arith.constant 0 : i32
      %dma_start3A_134 = arith.constant 0 : i32
      %dma_start3A_135 = tpu.memref_slice %arg6[%run_scoped3A_123, %dma_start3A_133, %dma_start3A_134] : memref<4x128x128xf32, #tpu.memory_space<vmem>> -> memref<1x128x128xf32, #tpu.memory_space<vmem>>
      %dma_start3A_136 = tpu.memref_squeeze %dma_start3A_135 : memref<1x128x128xf32, #tpu.memory_space<vmem>> -> memref<128x128xf32, #tpu.memory_space<vmem>>
      tpu.enqueue_dma source(%dma_start3A_136 : memref<128x128xf32, #tpu.memory_space<vmem>>) target(%dma_start3A_132 : memref<128x128xf32, #tpu.memory_space<hbm>>) target_semaphore(%run_scoped3A_124 : memref<!tpu.dma_semaphore, #tpu.memory_space<semaphore_mem>>)
      %dma_wait3A_137 = arith.constant 0 : i32
      %dma_wait3A_138 = arith.constant 0 : i32
      %dma_wait3A_139 = tpu.memref_slice %arg6[%run_scoped3A_123, %dma_wait3A_137, %dma_wait3A_138] : memref<4x128x128xf32, #tpu.memory_space<vmem>> -> memref<1x128x128xf32, #tpu.memory_space<vmem>>
      %dma_wait3A_140 = tpu.memref_squeeze %dma_wait3A_139 : memref<1x128x128xf32, #tpu.memory_space<vmem>> -> memref<128x128xf32, #tpu.memory_space<vmem>>
      %dma_wait3A_141 = arith.constant 0 : i32
      %dma_wait3A_142 = tpu.memref_slice %arg4[%add3A_122, %dma_wait3A_141] : memref<262144x128xf32, #tpu.memory_space<hbm>> -> memref<128x128xf32, #tpu.memory_space<hbm>>
      %dma_wait3A_143 = arith.constant 0 : i32
      %dma_wait3A_144 = tpu.memref_slice %arg4[%add3A_122, %dma_wait3A_143] : memref<262144x128xf32, #tpu.memory_space<hbm>> -> memref<128x128xf32, #tpu.memory_space<hbm>>
      %dma_wait3A_145 = arith.constant 0 : i32
      %dma_wait3A_146 = arith.constant 0 : i32
      %dma_wait3A_147 = tpu.memref_slice %arg6[%run_scoped3A_123, %dma_wait3A_145, %dma_wait3A_146] : memref<4x128x128xf32, #tpu.memory_space<vmem>> -> memref<1x128x128xf32, #tpu.memory_space<vmem>>
      %dma_wait3A_148 = tpu.memref_squeeze %dma_wait3A_147 : memref<1x128x128xf32, #tpu.memory_space<vmem>> -> memref<128x128xf32, #tpu.memory_space<vmem>>
      tpu.wait_dma2 semaphore(%run_scoped3A_124 : memref<!tpu.dma_semaphore, #tpu.memory_space<semaphore_mem>>) src(%dma_wait3A_148 : memref<128x128xf32, #tpu.memory_space<vmem>>) dst(%dma_wait3A_144 : memref<128x128xf32, #tpu.memory_space<hbm>>)
      tpu.yield
    }) : () -> ()
    return
  }
}

module attributes {stable_mosaic.version = 14 : i64} {
  func.func @_pad_body(%arg0: i32, %arg1: memref<8000x96xf32, #tpu.memory_space<vmem>>, %arg2: memref<1000000x128xf32, #tpu.memory_space<any>>, %arg3: memref<6x8000x128xf32, #tpu.memory_space<vmem>>, %arg4: memref<6x!tpu.dma_semaphore, #tpu.memory_space<semaphore_mem>>) attributes {dimension_semantics = [#tpu.dimension_semantics<arbitrary>], iteration_bounds = array<i64: 125>, scalar_prefetch = 0 : i64, scratch_operands = 2 : i64, tpu.core_type = #tpu.core_type<tc>, window_params = [{transform_indices = @transform_0, window_bounds = array<i64: 8000, 96>}, {}]} {
    %ge3A = arith.constant 6 : i32
    %ge3A_0 = arith.cmpi sge, %arg0, %ge3A : i32
    %convert_element_type3A = arith.extui %ge3A_0 : i1 to i32
    %cond3A = arith.constant 0 : i32
    %cond3A_1 = arith.cmpi ne, %convert_element_type3A, %cond3A : i32
    scf.if %cond3A_1 {
      %jit3A_46 = arith.constant 6 : i32
      %eq3A_47 = arith.constant 0 : i32
      %eq3A_48 = arith.cmpi eq, %jit3A_46, %eq3A_47 : i32
      %jit3A_49 = arith.constant 1 : i32
      %select_n3A_50 = arith.select %eq3A_48, %jit3A_49, %jit3A_46 : i32
      %rem3A_51 = arith.remsi %arg0, %select_n3A_50 : i32
      %ne3A_52 = arith.constant 0 : i32
      %ne3A_53 = arith.cmpi ne, %rem3A_51, %ne3A_52 : i32
      %lt3A_54 = arith.constant 0 : i32
      %lt3A_55 = arith.cmpi slt, %rem3A_51, %lt3A_54 : i32
      %lt3A_56 = arith.constant 0 : i32
      %lt3A_57 = arith.cmpi slt, %select_n3A_50, %lt3A_56 : i32
      %ne3A_58 = arith.xori %lt3A_55, %lt3A_57 : i1
      %and3A_59 = arith.andi %ne3A_58, %ne3A_53 : i1
      %add3A_60 = arith.addi %rem3A_51, %select_n3A_50 : i32
      %select_n3A_61 = arith.select %and3A_59, %add3A_60, %rem3A_51 : i32
      %sub3A = arith.constant 6 : i32
      %sub3A_62 = arith.subi %arg0, %sub3A : i32
      %mul3A_63 = arith.constant 8000 : i32
      %mul3A_64 = arith.muli %sub3A_62, %mul3A_63 : i32
      %dma_wait3A = tpu.memref_slice %arg4[%select_n3A_61] : memref<6x!tpu.dma_semaphore, #tpu.memory_space<semaphore_mem>> -> memref<1x!tpu.dma_semaphore, #tpu.memory_space<semaphore_mem>>
      %dma_wait3A_65 = tpu.memref_squeeze %dma_wait3A : memref<1x!tpu.dma_semaphore, #tpu.memory_space<semaphore_mem>> -> memref<!tpu.dma_semaphore, #tpu.memory_space<semaphore_mem>>
      %dma_wait3A_66 = arith.constant 0 : i32
      %dma_wait3A_67 = tpu.memref_slice %arg2[%mul3A_64, %dma_wait3A_66] : memref<1000000x128xf32, #tpu.memory_space<any>> -> memref<8000x128xf32, #tpu.memory_space<any>>
      %dma_wait3A_68 = arith.constant 0 : i32
      %dma_wait3A_69 = arith.constant 0 : i32
      %dma_wait3A_70 = tpu.memref_slice %arg3[%select_n3A_61, %dma_wait3A_68, %dma_wait3A_69] : memref<6x8000x128xf32, #tpu.memory_space<vmem>> -> memref<1x8000x128xf32, #tpu.memory_space<vmem>>
      %dma_wait3A_71 = tpu.memref_squeeze %dma_wait3A_70 : memref<1x8000x128xf32, #tpu.memory_space<vmem>> -> memref<8000x128xf32, #tpu.memory_space<vmem>>
      tpu.wait_dma2 semaphore(%dma_wait3A_65 : memref<!tpu.dma_semaphore, #tpu.memory_space<semaphore_mem>>) src(%dma_wait3A_71 : memref<8000x128xf32, #tpu.memory_space<vmem>>) dst(%dma_wait3A_67 : memref<8000x128xf32, #tpu.memory_space<any>>)
    } else {
    }
    %get3A = arith.constant 0 : index
    %get3A_2 = arith.constant 0 : index
    %get3A_3 = vector.load %arg1[%get3A, %get3A_2] : memref<8000x96xf32, #tpu.memory_space<vmem>>, vector<8000x96xf32>
    %jit3A = arith.constant 6 : i32
    %eq3A = arith.constant 0 : i32
    %eq3A_4 = arith.cmpi eq, %jit3A, %eq3A : i32
    %jit3A_5 = arith.constant 1 : i32
    %select_n3A = arith.select %eq3A_4, %jit3A_5, %jit3A : i32
    %rem3A = arith.remsi %arg0, %select_n3A : i32
    %ne3A = arith.constant 0 : i32
    %ne3A_6 = arith.cmpi ne, %rem3A, %ne3A : i32
    %lt3A = arith.constant 0 : i32
    %lt3A_7 = arith.cmpi slt, %rem3A, %lt3A : i32
    %lt3A_8 = arith.constant 0 : i32
    %lt3A_9 = arith.cmpi slt, %select_n3A, %lt3A_8 : i32
    %ne3A_10 = arith.xori %lt3A_7, %lt3A_9 : i1
    %and3A = arith.andi %ne3A_10, %ne3A_6 : i1
    %add3A = arith.addi %rem3A, %select_n3A : i32
    %select_n3A_11 = arith.select %and3A, %add3A, %rem3A : i32
    %swap3A = arith.index_cast %select_n3A_11 : i32 to index
    %swap3A_12 = arith.constant 0 : index
    %swap3A_13 = arith.constant 0 : index
    %swap3A_14 = vector.load %arg3[%swap3A, %swap3A_12, %swap3A_13] : memref<6x8000x128xf32, #tpu.memory_space<vmem>>, vector<1x8000x96xf32>
    %swap3A_15 = vector.shape_cast %swap3A_14 : vector<1x8000x96xf32> to vector<8000x96xf32>
    %swap3A_16 = vector.shape_cast %get3A_3 : vector<8000x96xf32> to vector<1x8000x96xf32>
    tpu.vector_store %arg3[%swap3A, %swap3A_12, %swap3A_13], %swap3A_16 {strides = array<i32>} : memref<6x8000x128xf32, #tpu.memory_space<vmem>>, vector<1x8000x96xf32>,
    %jit3A_17 = arith.constant 6 : i32
    %eq3A_18 = arith.constant 0 : i32
    %eq3A_19 = arith.cmpi eq, %jit3A_17, %eq3A_18 : i32
    %jit3A_20 = arith.constant 1 : i32
    %select_n3A_21 = arith.select %eq3A_19, %jit3A_20, %jit3A_17 : i32
    %rem3A_22 = arith.remsi %arg0, %select_n3A_21 : i32
    %ne3A_23 = arith.constant 0 : i32
    %ne3A_24 = arith.cmpi ne, %rem3A_22, %ne3A_23 : i32
    %lt3A_25 = arith.constant 0 : i32
    %lt3A_26 = arith.cmpi slt, %rem3A_22, %lt3A_25 : i32
    %lt3A_27 = arith.constant 0 : i32
    %lt3A_28 = arith.cmpi slt, %select_n3A_21, %lt3A_27 : i32
    %ne3A_29 = arith.xori %lt3A_26, %lt3A_28 : i1
    %and3A_30 = arith.andi %ne3A_29, %ne3A_24 : i1
    %add3A_31 = arith.addi %rem3A_22, %select_n3A_21 : i32
    %select_n3A_32 = arith.select %and3A_30, %add3A_31, %rem3A_22 : i32
    %mul3A = arith.constant 8000 : i32
    %mul3A_33 = arith.muli %arg0, %mul3A : i32
    %dma_start3A = tpu.memref_slice %arg4[%select_n3A_32] : memref<6x!tpu.dma_semaphore, #tpu.memory_space<semaphore_mem>> -> memref<1x!tpu.dma_semaphore, #tpu.memory_space<semaphore_mem>>
    %dma_start3A_34 = tpu.memref_squeeze %dma_start3A : memref<1x!tpu.dma_semaphore, #tpu.memory_space<semaphore_mem>> -> memref<!tpu.dma_semaphore, #tpu.memory_space<semaphore_mem>>
    %dma_start3A_35 = arith.constant 0 : i32
    %dma_start3A_36 = tpu.memref_slice %arg2[%mul3A_33, %dma_start3A_35] : memref<1000000x128xf32, #tpu.memory_space<any>> -> memref<8000x128xf32, #tpu.memory_space<any>>
    %dma_start3A_37 = arith.constant 0 : i32
    %dma_start3A_38 = arith.constant 0 : i32
    %dma_start3A_39 = tpu.memref_slice %arg3[%select_n3A_32, %dma_start3A_37, %dma_start3A_38] : memref<6x8000x128xf32, #tpu.memory_space<vmem>> -> memref<1x8000x128xf32, #tpu.memory_space<vmem>>
    %dma_start3A_40 = tpu.memref_squeeze %dma_start3A_39 : memref<1x8000x128xf32, #tpu.memory_space<vmem>> -> memref<8000x128xf32, #tpu.memory_space<vmem>>
    tpu.enqueue_dma source(%dma_start3A_40 : memref<8000x128xf32, #tpu.memory_space<vmem>>) target(%dma_start3A_36 : memref<8000x128xf32, #tpu.memory_space<any>>) target_semaphore(%dma_start3A_34 : memref<!tpu.dma_semaphore, #tpu.memory_space<semaphore_mem>>)
    %eq3A_41 = arith.constant 124 : i32
    %eq3A_42 = arith.cmpi eq, %arg0, %eq3A_41 : i32
    %convert_element_type3A_43 = arith.extui %eq3A_42 : i1 to i32
    %cond3A_44 = arith.constant 0 : i32
    %cond3A_45 = arith.cmpi ne, %convert_element_type3A_43, %cond3A_44 : i32
    scf.if %cond3A_45 {
      %dma_wait3A = arith.constant 5 : i32
      %dma_wait3A_46 = arith.constant 5 : i32
      %dma_wait3A_47 = tpu.memref_slice %arg4[%dma_wait3A_46] : memref<6x!tpu.dma_semaphore, #tpu.memory_space<semaphore_mem>> -> memref<1x!tpu.dma_semaphore, #tpu.memory_space<semaphore_mem>>
      %dma_wait3A_48 = tpu.memref_squeeze %dma_wait3A_47 : memref<1x!tpu.dma_semaphore, #tpu.memory_space<semaphore_mem>> -> memref<!tpu.dma_semaphore, #tpu.memory_space<semaphore_mem>>
      %dma_wait3A_49 = arith.constant 952000 : i32
      %dma_wait3A_50 = arith.constant 0 : i32
      %dma_wait3A_51 = tpu.memref_slice %arg2[%dma_wait3A_49, %dma_wait3A_50] : memref<1000000x128xf32, #tpu.memory_space<any>> -> memref<8000x128xf32, #tpu.memory_space<any>>
      %dma_wait3A_52 = arith.constant 0 : i32
      %dma_wait3A_53 = arith.constant 0 : i32
      %dma_wait3A_54 = tpu.memref_slice %arg3[%dma_wait3A, %dma_wait3A_52, %dma_wait3A_53] : memref<6x8000x128xf32, #tpu.memory_space<vmem>> -> memref<1x8000x128xf32, #tpu.memory_space<vmem>>
      %dma_wait3A_55 = tpu.memref_squeeze %dma_wait3A_54 : memref<1x8000x128xf32, #tpu.memory_space<vmem>> -> memref<8000x128xf32, #tpu.memory_space<vmem>>
      tpu.wait_dma2 semaphore(%dma_wait3A_48 : memref<!tpu.dma_semaphore, #tpu.memory_space<semaphore_mem>>) src(%dma_wait3A_55 : memref<8000x128xf32, #tpu.memory_space<vmem>>) dst(%dma_wait3A_51 : memref<8000x128xf32, #tpu.memory_space<any>>)
      %dma_wait3A_56 = arith.constant 0 : i32
      %dma_wait3A_57 = arith.constant 0 : i32
      %dma_wait3A_58 = tpu.memref_slice %arg4[%dma_wait3A_57] : memref<6x!tpu.dma_semaphore, #tpu.memory_space<semaphore_mem>> -> memref<1x!tpu.dma_semaphore, #tpu.memory_space<semaphore_mem>>
      %dma_wait3A_59 = tpu.memref_squeeze %dma_wait3A_58 : memref<1x!tpu.dma_semaphore, #tpu.memory_space<semaphore_mem>> -> memref<!tpu.dma_semaphore, #tpu.memory_space<semaphore_mem>>
      %dma_wait3A_60 = arith.constant 960000 : i32
      %dma_wait3A_61 = arith.constant 0 : i32
      %dma_wait3A_62 = tpu.memref_slice %arg2[%dma_wait3A_60, %dma_wait3A_61] : memref<1000000x128xf32, #tpu.memory_space<any>> -> memref<8000x128xf32, #tpu.memory_space<any>>
      %dma_wait3A_63 = arith.constant 0 : i32
      %dma_wait3A_64 = arith.constant 0 : i32
      %dma_wait3A_65 = tpu.memref_slice %arg3[%dma_wait3A_56, %dma_wait3A_63, %dma_wait3A_64] : memref<6x8000x128xf32, #tpu.memory_space<vmem>> -> memref<1x8000x128xf32, #tpu.memory_space<vmem>>
      %dma_wait3A_66 = tpu.memref_squeeze %dma_wait3A_65 : memref<1x8000x128xf32, #tpu.memory_space<vmem>> -> memref<8000x128xf32, #tpu.memory_space<vmem>>
      tpu.wait_dma2 semaphore(%dma_wait3A_59 : memref<!tpu.dma_semaphore, #tpu.memory_space<semaphore_mem>>) src(%dma_wait3A_66 : memref<8000x128xf32, #tpu.memory_space<vmem>>) dst(%dma_wait3A_62 : memref<8000x128xf32, #tpu.memory_space<any>>)
      %dma_wait3A_67 = arith.constant 1 : i32
      %dma_wait3A_68 = arith.constant 1 : i32
      %dma_wait3A_69 = tpu.memref_slice %arg4[%dma_wait3A_68] : memref<6x!tpu.dma_semaphore, #tpu.memory_space<semaphore_mem>> -> memref<1x!tpu.dma_semaphore, #tpu.memory_space<semaphore_mem>>
      %dma_wait3A_70 = tpu.memref_squeeze %dma_wait3A_69 : memref<1x!tpu.dma_semaphore, #tpu.memory_space<semaphore_mem>> -> memref<!tpu.dma_semaphore, #tpu.memory_space<semaphore_mem>>
      %dma_wait3A_71 = arith.constant 968000 : i32
      %dma_wait3A_72 = arith.constant 0 : i32
      %dma_wait3A_73 = tpu.memref_slice %arg2[%dma_wait3A_71, %dma_wait3A_72] : memref<1000000x128xf32, #tpu.memory_space<any>> -> memref<8000x128xf32, #tpu.memory_space<any>>
      %dma_wait3A_74 = arith.constant 0 : i32
      %dma_wait3A_75 = arith.constant 0 : i32
      %dma_wait3A_76 = tpu.memref_slice %arg3[%dma_wait3A_67, %dma_wait3A_74, %dma_wait3A_75] : memref<6x8000x128xf32, #tpu.memory_space<vmem>> -> memref<1x8000x128xf32, #tpu.memory_space<vmem>>
      %dma_wait3A_77 = tpu.memref_squeeze %dma_wait3A_76 : memref<1x8000x128xf32, #tpu.memory_space<vmem>> -> memref<8000x128xf32, #tpu.memory_space<vmem>>
      tpu.wait_dma2 semaphore(%dma_wait3A_70 : memref<!tpu.dma_semaphore, #tpu.memory_space<semaphore_mem>>) src(%dma_wait3A_77 : memref<8000x128xf32, #tpu.memory_space<vmem>>) dst(%dma_wait3A_73 : memref<8000x128xf32, #tpu.memory_space<any>>)
      %dma_wait3A_78 = arith.constant 2 : i32
      %dma_wait3A_79 = arith.constant 2 : i32
      %dma_wait3A_80 = tpu.memref_slice %arg4[%dma_wait3A_79] : memref<6x!tpu.dma_semaphore, #tpu.memory_space<semaphore_mem>> -> memref<1x!tpu.dma_semaphore, #tpu.memory_space<semaphore_mem>>
      %dma_wait3A_81 = tpu.memref_squeeze %dma_wait3A_80 : memref<1x!tpu.dma_semaphore, #tpu.memory_space<semaphore_mem>> -> memref<!tpu.dma_semaphore, #tpu.memory_space<semaphore_mem>>
      %dma_wait3A_82 = arith.constant 976000 : i32
      %dma_wait3A_83 = arith.constant 0 : i32
      %dma_wait3A_84 = tpu.memref_slice %arg2[%dma_wait3A_82, %dma_wait3A_83] : memref<1000000x128xf32, #tpu.memory_space<any>> -> memref<8000x128xf32, #tpu.memory_space<any>>
      %dma_wait3A_85 = arith.constant 0 : i32
      %dma_wait3A_86 = arith.constant 0 : i32
      %dma_wait3A_87 = tpu.memref_slice %arg3[%dma_wait3A_78, %dma_wait3A_85, %dma_wait3A_86] : memref<6x8000x128xf32, #tpu.memory_space<vmem>> -> memref<1x8000x128xf32, #tpu.memory_space<vmem>>
      %dma_wait3A_88 = tpu.memref_squeeze %dma_wait3A_87 : memref<1x8000x128xf32, #tpu.memory_space<vmem>> -> memref<8000x128xf32, #tpu.memory_space<vmem>>
      tpu.wait_dma2 semaphore(%dma_wait3A_81 : memref<!tpu.dma_semaphore, #tpu.memory_space<semaphore_mem>>) src(%dma_wait3A_88 : memref<8000x128xf32, #tpu.memory_space<vmem>>) dst(%dma_wait3A_84 : memref<8000x128xf32, #tpu.memory_space<any>>)
      %dma_wait3A_89 = arith.constant 3 : i32
      %dma_wait3A_90 = arith.constant 3 : i32
      %dma_wait3A_91 = tpu.memref_slice %arg4[%dma_wait3A_90] : memref<6x!tpu.dma_semaphore, #tpu.memory_space<semaphore_mem>> -> memref<1x!tpu.dma_semaphore, #tpu.memory_space<semaphore_mem>>
      %dma_wait3A_92 = tpu.memref_squeeze %dma_wait3A_91 : memref<1x!tpu.dma_semaphore, #tpu.memory_space<semaphore_mem>> -> memref<!tpu.dma_semaphore, #tpu.memory_space<semaphore_mem>>
      %dma_wait3A_93 = arith.constant 984000 : i32
      %dma_wait3A_94 = arith.constant 0 : i32
      %dma_wait3A_95 = tpu.memref_slice %arg2[%dma_wait3A_93, %dma_wait3A_94] : memref<1000000x128xf32, #tpu.memory_space<any>> -> memref<8000x128xf32, #tpu.memory_space<any>>
      %dma_wait3A_96 = arith.constant 0 : i32
      %dma_wait3A_97 = arith.constant 0 : i32
      %dma_wait3A_98 = tpu.memref_slice %arg3[%dma_wait3A_89, %dma_wait3A_96, %dma_wait3A_97] : memref<6x8000x128xf32, #tpu.memory_space<vmem>> -> memref<1x8000x128xf32, #tpu.memory_space<vmem>>
      %dma_wait3A_99 = tpu.memref_squeeze %dma_wait3A_98 : memref<1x8000x128xf32, #tpu.memory_space<vmem>> -> memref<8000x128xf32, #tpu.memory_space<vmem>>
      tpu.wait_dma2 semaphore(%dma_wait3A_92 : memref<!tpu.dma_semaphore, #tpu.memory_space<semaphore_mem>>) src(%dma_wait3A_99 : memref<8000x128xf32, #tpu.memory_space<vmem>>) dst(%dma_wait3A_95 : memref<8000x128xf32, #tpu.memory_space<any>>)
      %dma_wait3A_100 = arith.constant 4 : i32
      %dma_wait3A_101 = arith.constant 4 : i32
      %dma_wait3A_102 = tpu.memref_slice %arg4[%dma_wait3A_101] : memref<6x!tpu.dma_semaphore, #tpu.memory_space<semaphore_mem>> -> memref<1x!tpu.dma_semaphore, #tpu.memory_space<semaphore_mem>>
      %dma_wait3A_103 = tpu.memref_squeeze %dma_wait3A_102 : memref<1x!tpu.dma_semaphore, #tpu.memory_space<semaphore_mem>> -> memref<!tpu.dma_semaphore, #tpu.memory_space<semaphore_mem>>
      %dma_wait3A_104 = arith.constant 992000 : i32
      %dma_wait3A_105 = arith.constant 0 : i32
      %dma_wait3A_106 = tpu.memref_slice %arg2[%dma_wait3A_104, %dma_wait3A_105] : memref<1000000x128xf32, #tpu.memory_space<any>> -> memref<8000x128xf32, #tpu.memory_space<any>>
      %dma_wait3A_107 = arith.constant 0 : i32
      %dma_wait3A_108 = arith.constant 0 : i32
      %dma_wait3A_109 = tpu.memref_slice %arg3[%dma_wait3A_100, %dma_wait3A_107, %dma_wait3A_108] : memref<6x8000x128xf32, #tpu.memory_space<vmem>> -> memref<1x8000x128xf32, #tpu.memory_space<vmem>>
      %dma_wait3A_110 = tpu.memref_squeeze %dma_wait3A_109 : memref<1x8000x128xf32, #tpu.memory_space<vmem>> -> memref<8000x128xf32, #tpu.memory_space<vmem>>
      tpu.wait_dma2 semaphore(%dma_wait3A_103 : memref<!tpu.dma_semaphore, #tpu.memory_space<semaphore_mem>>) src(%dma_wait3A_110 : memref<8000x128xf32, #tpu.memory_space<vmem>>) dst(%dma_wait3A_106 : memref<8000x128xf32, #tpu.memory_space<any>>)
    } else {
    }
    return
  }
  func.func @transform_0(%arg0: i32) -> (i32, i32) {
    %c0_i32 = arith.constant 0 : i32
    %c0_i32_0 = arith.constant 0 : i32
    return %arg0, %c0_i32 : i32, i32
  }
}

module attributes {stable_mosaic.version = 14 : i64} {
  func.func @_mlp_body(%arg0: i32, %arg1: memref<4096x128xf32, #tpu.memory_space<vmem>>, %arg2: memref<4096x96xf32, #tpu.memory_space<vmem>>, %arg3: memref<96x384xbf16, #tpu.memory_space<vmem>>, %arg4: memref<1x384xf32, #tpu.memory_space<vmem>>, %arg5: memref<384x96xbf16, #tpu.memory_space<vmem>>, %arg6: memref<1x96xf32, #tpu.memory_space<vmem>>, %arg7: memref<4096x96xf32, #tpu.memory_space<vmem>>) attributes {dimension_semantics = [#tpu.dimension_semantics<parallel>], iteration_bounds = array<i64: 64>, scalar_prefetch = 0 : i64, scratch_operands = 0 : i64, tpu.core_type = #tpu.core_type<tc>, window_params = [{transform_indices = @transform_0, window_bounds = array<i64: 4096, 128>}, {pipeline_mode = #tpu.pipeline_mode<synchronous>, transform_indices = @transform_1, window_bounds = array<i64: 4096, 96>}, {pipeline_mode = #tpu.pipeline_mode<synchronous>, transform_indices = @transform_2, window_bounds = array<i64: 96, 384>}, {pipeline_mode = #tpu.pipeline_mode<synchronous>, transform_indices = @transform_3, window_bounds = array<i64: 1, 384>}, {pipeline_mode = #tpu.pipeline_mode<synchronous>, transform_indices = @transform_4, window_bounds = array<i64: 384, 96>}, {pipeline_mode = #tpu.pipeline_mode<synchronous>, transform_indices = @transform_5, window_bounds = array<i64: 1, 96>}, {transform_indices = @transform_6, window_bounds = array<i64: 4096, 96>}]} {
    %get3A = arith.constant 0 : index
    %get3A_0 = arith.constant 0 : index
    %get3A_1 = vector.load %arg1[%get3A, %get3A_0] : memref<4096x128xf32, #tpu.memory_space<vmem>>, vector<4096x96xf32>
    %get3A_2 = arith.constant 0 : index
    %get3A_3 = arith.constant 0 : index
    %get3A_4 = vector.load %arg2[%get3A_2, %get3A_3] : memref<4096x96xf32, #tpu.memory_space<vmem>>, vector<4096x96xf32>
    %add3A = arith.addf %get3A_1, %get3A_4 : vector<4096x96xf32>
    %convert_element_type3A = arith.truncf %add3A : vector<4096x96xf32> to vector<4096x96xbf16>
    %get3A_5 = arith.constant 0 : index
    %get3A_6 = arith.constant 0 : index
    %get3A_7 = vector.load %arg3[%get3A_5, %get3A_6] : memref<96x384xbf16, #tpu.memory_space<vmem>>, vector<96x384xbf16>
    %dot_general3A = arith.constant dense<0.000000e+00> : vector<4096x384xf32>
    %dot_general3A_8 = tpu.matmul %convert_element_type3A, %get3A_7, %dot_general3A {dimension_numbers = #tpu.dot_dimension_numbers<[1], [0], [0], [1], [0, 0, 1, 1], [], []>, transpose_lhs_hint = false} : vector<4096x96xbf16>, vector<96x384xbf16>, vector<4096x384xf32> -> vector<4096x384xf32>
    %get3A_9 = arith.constant 0 : index
    %get3A_10 = arith.constant 0 : index
    %get3A_11 = vector.load %arg4[%get3A_9, %get3A_10] : memref<1x384xf32, #tpu.memory_space<vmem>>, vector<1x384xf32>
    %add3A_12 = vector.broadcast %get3A_11 : vector<1x384xf32> to vector<4096x384xf32>
    %add3A_13 = arith.addf %dot_general3A_8, %add3A_12 : vector<4096x384xf32>
    %max3A = arith.constant 0.000000e+00 : f32
    %max3A_14 = vector.broadcast %max3A : f32 to vector<4096x384xf32>
    %max3A_15 = arith.maximumf %add3A_13, %max3A_14 : vector<4096x384xf32>
    %convert_element_type3A_16 = arith.truncf %max3A_15 : vector<4096x384xf32> to vector<4096x384xbf16>
    %get3A_17 = arith.constant 0 : index
    %get3A_18 = arith.constant 0 : index
    %get3A_19 = vector.load %arg5[%get3A_17, %get3A_18] : memref<384x96xbf16, #tpu.memory_space<vmem>>, vector<384x96xbf16>
    %dot_general3A_20 = arith.constant dense<0.000000e+00> : vector<4096x96xf32>
    %dot_general3A_21 = tpu.matmul %convert_element_type3A_16, %get3A_19, %dot_general3A_20 {dimension_numbers = #tpu.dot_dimension_numbers<[1], [0], [0], [1], [0, 0, 1, 1], [], []>, transpose_lhs_hint = false} : vector<4096x384xbf16>, vector<384x96xbf16>, vector<4096x96xf32> -> vector<4096x96xf32>
    %get3A_22 = arith.constant 0 : index
    %get3A_23 = arith.constant 0 : index
    %get3A_24 = vector.load %arg6[%get3A_22, %get3A_23] : memref<1x96xf32, #tpu.memory_space<vmem>>, vector<1x96xf32>
    %add3A_25 = vector.broadcast %get3A_24 : vector<1x96xf32> to vector<4096x96xf32>
    %add3A_26 = arith.addf %dot_general3A_21, %add3A_25 : vector<4096x96xf32>
    %swap3A = arith.constant 0 : index
    %swap3A_27 = arith.constant 0 : index
    %swap3A_28 = vector.load %arg7[%swap3A, %swap3A_27] : memref<4096x96xf32, #tpu.memory_space<vmem>>, vector<4096x96xf32>
    tpu.vector_store %arg7[%swap3A, %swap3A_27], %add3A_26 {strides = array<i32>} : memref<4096x96xf32, #tpu.memory_space<vmem>>, vector<4096x96xf32>,
    return
  }
  func.func @transform_0(%arg0: i32) -> (i32, i32) {
    %c0_i32 = arith.constant 0 : i32
    %c0_i32_0 = arith.constant 0 : i32
    return %arg0, %c0_i32 : i32, i32
  }
  func.func @transform_1(%arg0: i32) -> (i32, i32) {
    %c0_i32 = arith.constant 0 : i32
    %c0_i32_0 = arith.constant 0 : i32
    %c0_i32_1 = arith.constant 0 : i32
    return %c0_i32, %c0_i32_0 : i32, i32
  }
  func.func @transform_2(%arg0: i32) -> (i32, i32) {
    %c0_i32 = arith.constant 0 : i32
    %c0_i32_0 = arith.constant 0 : i32
    %c0_i32_1 = arith.constant 0 : i32
    return %c0_i32, %c0_i32_0 : i32, i32
  }
  func.func @transform_3(%arg0: i32) -> (i32, i32) {
    %c0_i32 = arith.constant 0 : i32
    %c0_i32_0 = arith.constant 0 : i32
    %c0_i32_1 = arith.constant 0 : i32
    return %c0_i32, %c0_i32_0 : i32, i32
  }
  func.func @transform_4(%arg0: i32) -> (i32, i32) {
    %c0_i32 = arith.constant 0 : i32
    %c0_i32_0 = arith.constant 0 : i32
    %c0_i32_1 = arith.constant 0 : i32
    return %c0_i32, %c0_i32_0 : i32, i32
  }
  func.func @transform_5(%arg0: i32) -> (i32, i32) {
    %c0_i32 = arith.constant 0 : i32
    %c0_i32_0 = arith.constant 0 : i32
    %c0_i32_1 = arith.constant 0 : i32
    return %c0_i32, %c0_i32_0 : i32, i32
  }
  func.func @transform_6(%arg0: i32) -> (i32, i32) {
    %c0_i32 = arith.constant 0 : i32
    %c0_i32_0 = arith.constant 0 : i32
    return %arg0, %c0_i32 : i32, i32
  }
}

</mosaic_0001>

<sc_bundles>
// kernel: kernel.5.cloned.1.call-start
scs
__scs_entry_jumppad:
0x0: {  	(pc) =	sbr.rel $0x88, $3  }
0x1: {  	(tag) =	ssettag $0x0;
	lr =	simm.s32 $0x1  }
0x2: {  	[smem:$0x3F9A] =	sst lr;
	_ =	strace $0xD0000000  }
0x3: {  	_ = 	snop  }
0x4: {  	_ = 	snop  }
0x5: {  	_ = 	snop  }
0x6: {  	_ = 	snop  }
0x7: {  	_ = 	snop  }
__scs_overlays_trampoline_lowered:
0x8: {  	[smem:$0x3FA9] =	sst s0  }
0x9: {  	[smem:$0x3FAA] =	sst s1  }
0xa: {  	[smem:$0x3FAB] =	sst s2  }
0xb: {  	[smem:$0x3FAC] =	sst s3  }
0xc: {  	[smem:$0x3FAD] =	sst s4  }
0xd: {  	[smem:$0x3FAE] =	sst s5  }
0xe: {  	[smem:$0x3FAF] =	sst s6  }
0xf: {  	[smem:$0x3FB0] =	sst s7  }
0x10: {  	[smem:$0x3FB1] =	sst s8  }
0x11: {  	[smem:$0x3FB2] =	sst s9;
	s0 =	simm.s32 @!p0 $0x0  }
0x12: {  	s1 =	sld [smem:$0x3F98];
	s0 =	simm.s32 @p0 $0x1  }
0x13: {  	[smem:$0x3FB3] =	sst s0;
	s0 =	simm.s32 @!p1 $0x0  }
0x14: {  	s2 =	sld [smem:$0x3F97];
	s0 =	simm.s32 @p1 $0x1  }
0x15: {  	[smem:$0x3FB4] =	sst s0;
	s0 =	simm.s32 @!p2 $0x0  }
0x16: {  	s3 =	sld [smem:$0x3FDB];
	s0 =	simm.s32 @p2 $0x1  }
0x17: {  	s4 =	simm.s32 $0x1BF5;
	[smem:$0x3FB6] =	sst s0  }
0x18: {  	s0 =	sld [smem:$0x3F99];
	_ =	swait.ge [sflag:s4], $0x0  }
0x19: {  	s7 =	sld [smem:$0x3F9A]  }
0x1a: {  	s8 =	sadd.s32 $0xFFFFE003, lr  }
0x1b: {  	s9 =	sadd.s32 $0xFFFFFEF7, lr;
	s5 =	simm.s32 $0xFFFFFFFF;
	p2 =	slt.u32 s8, $0xFFFFF086  }
0x1c: {  	p1 =	slt.u32 s9, $0xF7A;
	s5 =	simm.s32 @!p2 $0x0  }
0x1d: {  	s5 =	simm.s32 @p1 $0x1;
	p0 =	seq.s32 s7, s2  }
0x1e: {  	s7 =	smul.u32 @!p0 $0xF7A, s2;
	p2 =	seq.s32 @!p0 s5, $0x0  }
0x1f: {  	s9 =	smul.u32 $0xF7A, s1;
	s8 =	simm.s32 @!p0 $0x1BF5;
	p2 =	por !p2, p0  }
0x20: {  	[sflag:s8] =	ssyncset.s32 @!p0 $0xFFFFF086;
	s6 =	sadd.s32 @!p0 s3, s7;
	s7 =	simm.s32 @!p0 $0x108  }
0x21: {  	s3 =	sadd.s32 s3, s9;
	s6 =	sadd.s32 @!p0 $0x88, s6;
	s7 =	simm.s32 @p2 $0x1082  }
0x22: {  	[simem:s7], [sflag:s8] =	dma.local @!p0 [hbm:s6], $0xF7A  }
0x23: {  	s9 =	sor.u32 $0xD0000000, s2;
	s6 =	simm.s32 $0x108;
	_ =	swait.ge @!p0 [sflag:s8], $0x0  }
0x24: {  	s3 =	sadd.s32 $0x88, s3;
	s6 =	simm.s32 @!p1 $0x1082;
	[sflag:s4] =	ssyncset.s32 $0xFFFFF086  }
0x25: {  	[simem:s6], [sflag:s4] =	dma.local [hbm:s3], $0xF7A  }
0x26: {  	[smem:$0x3F9A] =	sst s1;
	(tag) =	ssettag s2;
	_ =	strace s9  }
0x27: {  	s1 =	sld [smem:$0x3FAA]  }
0x28: {  	s2 =	sld [smem:$0x3FAB]  }
0x29: {  	s4 =	sld [smem:$0x3FAD]  }
0x2a: {  	p0 =	seq.s32 s5, $0x0;
	s5 =	sld [smem:$0x3FAE]  }
0x2b: {  	s6 =	sld [smem:$0x3FAF]  }
0x2c: {  	s7 =	sld [smem:$0x3FB0]  }
0x2d: {  	s3 =	simm.s32 $0x108;
	s8 =	sld [smem:$0x3FB1]  }
0x2e: {  	s3 =	simm.s32 @!p0 $0x1082;
	s9 =	sld [smem:$0x3FB2]  }
0x2f: {  	lr =	sadd.s32 s0, s3;
	s0 =	sld [smem:$0x3FA9]  }
0x30: {  	s3 =	sld [smem:$0x3FAC]  }
0x31: {  	[smem:$0x3FB5] =	sst s10  }
0x32: {  	s10 =	sld [smem:$0x3FB3];
	_ =	sdelay $0x3  }
0x33: {  	p0 =	seq.s32 s10, $0x1;
	s10 =	sld [smem:$0x3FB5];
	_ =	sdelay $0x3  }
0x34: {  	[smem:$0x3FB5] =	sst s10  }
0x35: {  	s10 =	sld [smem:$0x3FB4];
	_ =	sdelay $0x3  }
0x36: {  	p1 =	seq.s32 s10, $0x1;
	s10 =	sld [smem:$0x3FB5];
	_ =	sdelay $0x3  }
0x37: {  	[smem:$0x3FB5] =	sst s10  }
0x38: {  	s10 =	sld [smem:$0x3FB6]  }
0x39: {  	_ = 	snop;
	(pc) =	sbr.ind lr, $3  }
0x3a: {  	_ = 	snop  }
0x3b: {  	_ = 	snop  }
0x3c: {  	p2 =	seq.s32 s10, $0x1;
	s10 =	sld [smem:$0x3FB5]  }
0x3d: {  	_ =	shalt  }
0x3e: {  	_ =	shalt  }
0x3f: {  	_ =	shalt  }
0x40: {  	_ =	shalt  }
0x41: {  	_ =	shalt  }
0x42: {  	_ =	shalt  }
0x43: {  	_ =	shalt  }
0x44: {  	_ =	shalt  }
0x45: {  	_ =	shalt  }
0x46: {  	_ =	shalt  }
0x47: {  	_ =	shalt  }
0x48: {  	_ =	shalt  }
0x49: {  	_ =	shalt  }
0x4a: {  	_ =	shalt  }
0x4b: {  	_ =	shalt  }
0x4c: {  	_ =	shalt  }
0x4d: {  	_ =	shalt  }
0x4e: {  	_ =	shalt  }
0x4f: {  	_ =	shalt  }
0x50: {  	_ =	shalt  }
0x51: {  	_ =	shalt  }
0x52: {  	_ =	shalt  }
0x53: {  	_ =	shalt  }
0x54: {  	_ =	shalt  }
0x55: {  	_ =	shalt  }
0x56: {  	_ =	shalt  }
0x57: {  	_ =	shalt  }
0x58: {  	_ =	shalt  }
0x59: {  	_ =	shalt  }
0x5a: {  	_ =	shalt  }
0x5b: {  	_ =	shalt  }
0x5c: {  	_ =	shalt  }
0x5d: {  	_ =	shalt  }
0x5e: {  	_ =	shalt  }
0x5f: {  	_ =	shalt  }
0x60: {  	_ =	shalt  }
0x61: {  	_ =	shalt  }
0x62: {  	_ =	shalt  }
0x63: {  	_ =	shalt  }
0x64: {  	_ =	shalt  }
0x65: {  	_ =	shalt  }
0x66: {  	_ =	shalt  }
0x67: {  	_ =	shalt  }
0x68: {  	_ =	shalt  }
0x69: {  	_ =	shalt  }
0x6a: {  	_ =	shalt  }
0x6b: {  	_ =	shalt  }
0x6c: {  	_ =	shalt  }
0x6d: {  	_ =	shalt  }
0x6e: {  	_ =	shalt  }
0x6f: {  	_ =	shalt  }
0x70: {  	_ =	shalt  }
0x71: {  	_ =	shalt  }
0x72: {  	_ =	shalt  }
0x73: {  	_ =	shalt  }
0x74: {  	_ =	shalt  }
0x75: {  	_ =	shalt  }
0x76: {  	_ =	shalt  }
0x77: {  	_ =	shalt  }
0x78: {  	_ =	shalt  }
0x79: {  	_ =	shalt  }
0x7a: {  	_ =	shalt  }
0x7b: {  	_ =	shalt  }
0x7c: {  	_ =	shalt  }
0x7d: {  	_ =	shalt  }
0x7e: {  	_ =	shalt  }
0x7f: {  	_ =	shalt  }
0x80: {  	_ =	shalt  }
0x81: {  	_ =	shalt  }
0x82: {  	_ =	shalt  }
0x83: {  	_ =	shalt  }
0x84: {  	_ =	shalt  }
0x85: {  	_ =	shalt  }
0x86: {  	_ =	shalt  }
0x87: {  	_ =	shalt  }
.Lfunc_end0:
.L_simem_size_0:
called_computation.1_lowered:
.L_overlay_start_0:
0x88: {  	s2 =	sld [smem:$0x3FD9]  }
0x89: {  	s3 =	sld [smem:$0x3FFE];
	_ =	sdelay $0x1  }
0x8a: {  	s1 =	srdreg.scid  }
0x8b: {  	s0 =	sand.u32 $0x1, s1  }
0x8c: {  	s17 =	sshll.u32 s0, $0xA;
	s2 =	sadd.s32 s3, s2  }
0x8d: {  	s2 =	sadd.s32 s2, s17  }
0x8e: {  	[smem:$0x3FC1] =	sst s2  }
0x8f: {  	_ = 	snop  }
0x90: {  	s2 =	sld [smem:$0x3FD0];
	(tm) =	ssettm $0x1  }
0x91: {  	s18 =	sld [smem:$0x3FFB];
	_ =	sdelay $0x3  }
0x92: {  	_ =	strace s18  }
0x93: {  	s3 =	sld [smem:$0x3FFC];
	_ =	sdelay $0x3  }
0x94: {  	_ =	strace s3  }
0x95: {  	s3 =	sld [smem:$0x3FFD];
	_ =	sdelay $0x3  }
0x96: {  	_ =	strace s3  }
0x97: {  	_ =	strace $0x8FFFFFFF  }
0x98: {  	s19 =	sld [smem:$0x3FDB];
	_ =	sdelay $0x1  }
0x99: {  	s4 =	simm.s32 $_scs_section_size  }
0x9a: {  	s5 =	simm.s32 $_size__tile_overlayer_lowered;
	s6 =	simm.s32 $_tile_overlayer_lowered  }
0x9b: {  	s22 =	simm.s32 $0x1BFF;
	s21 =	sshll.u32 s6, $0x1;
	s3 =	sadd.s32 s4, s19  }
0x9c: {  	s7 =	simm.s32 $0x0;
	s20 =	sshll.u32 s5, $0x1;
	s5 =	sadd.s32 s21, s3  }
0x9d: {  	[timem:s7], [sflag:s22] =	dma.local [hbm:s5], s20  }
0x9e: {  	_ =	swait.ge [sflag:s22], s20  }
0x9f: {  	s4 =	ssub.s32 $0x0, s20;
	[sflag:s22] =	ssyncset.done $0x0  }
0xa0: {  	[sflag:s22] =	ssyncadd.s32 s4;
	_ =	sdelay $0x1  }
0xa1: {  	s23 =	simm.s32 $0x1B8B  }
0xa2: {  	_ =	swait.ge [sflag:s23], $0x1  }
0xa3: {  	[sflag:s23] =	ssyncset.done $0x0  }
0xa4: {  	s25 =	simm.s32 $0x1B8E;
	s24 =	sld [smem:$0x3FFE];
	[sflag:s23] =	ssyncadd.s32 $0xFFFFFFFF  }
0xa5: {  	s26 =	simm.s32 $execute0_lowered;
	[smem:$0x3FD2] =	sst s25  }
0xa6: {  	s5 =	sshll.u32 s26, $0x1;
	_ =	strace $0x80000046;
	[dreg:$0x1] =	wrdreg $0xFFFFFFFF  }
0xa7: {  	s28 =	simm.s32 $_size_execute0_lowered;
	s3 =	sadd.s32 s3, s5;
	[dreg:$0x0] =	wrdreg $0x0  }
0xa8: {  	s5 =	sshll.u32 s28, $0x1;
	[dreg:$0x2] =	wrdreg s3  }
0xa9: {  	[dreg:$0x3] =	wrdreg s5  }
0xaa: {  	[dreg:$0x4] =	wrdreg $0xC0  }
0xab: {  	_ =	task [dreg:s7], $0x5FFFF  }
0xac: {  	[dreg:$0x1] =	wrdreg $0xFFFFFFFF  }
0xad: {  	[dreg:$0x0] =	wrdreg $0x60  }
0xae: {  	[dreg:$0x2] =	wrdreg s24  }
0xaf: {  	[dreg:$0x3] =	wrdreg s2  }
0xb0: {  	[dreg:$0x4] =	wrdreg $0x9  }
0xb1: {  	_ =	task.clear_ibuf [dreg:s7], $0x5FFFF;
	_ =	strace $0x90000046  }
0xb2: {  	s29 =	simm.s32 $0x9;
	_ =	strace $0x80000048  }
0xb3: {  	_ =	swait.ge [sflag:s29], $0x1  }
0xb4: {  	[sflag:s29] =	ssyncadd.s32 $0xFFFFFFFF  }
0xb5: {  	_ =	strace $0x90000048  }
0xb6: {  	_ =	sfence  }
0xb7: {  	s30 =	sld [smem:$0x0];
	_ =	sdelay $0x2  }
0xb8: {  	s31 =	sshll.u32 s1, $0xD;
	s1 =	sshrl.u32 s1, $0x2  }
0xb9: {  	s3 =	sand.u32 $0x4000, s31;
	s1 =	sadd.s32 s1, s30  }
0xba: {  	s0 =	sor.u32 s3, s0;
	s1 =	sshll.u32 s1, $0x11  }
0xbb: {  	s0 =	sor.u32 s1, s0  }
0xbc: {  	s0 =	sadd.s32 $0x8F2B, s0  }
0xbd: {  	[sflag:s0] =	ssyncadd.remote.s32 $0x1  }
0xbe: {  	_ =	sfence.sel $0xFFFF  }
0xbf: {  	[dreg:$0x0] =	wrdreg $0xFFFFFFFF;
	(pc) =	sbr.abs _section_cstart, $3  }
0xc0: {  	[dreg:$0x1] =	wrdreg $0xFFFFFFFF  }
0xc1: {  	_ =	task.clear_ibuf [dreg:s7], $0x2FFFF;
	_ =	strace $0x9FFFFFFF  }
0xc2: {  	(tm) =	ssettm $0x7FFFFFFF  }
0xc3: {  	_ =	shalt  }
tec
execute0_lowered:
.L_overlay_start_1:
0x0: {  	(tag) =	ssettag $0x1  }
0x1: {  	s0 =	rddreg [dreg:$0x0]  }
0x2: {  	s1 =	rddreg [dreg:$0x1]  }
0x3: {  	s3 =	srdreg.scid;
	s2 =	simm.s32 $0x0;
	s13 =	stileid.u32  }
0x4: {  	s28 =	simm.s32 $0x2;
	s29 =	simm.s32 $0x3;
	s30 =	simm.s32 $0x4  }
0x5: {  	s31 =	simm.s32 $0x0;
	s5 =	sand.u32 $0x1, s3;
	[smem:$0x7FF] =	sst s2  }
0x6: {  	s4 =	sshll.u32 s13, $0xE;
	s3 =	sadd.s32 $0xF43800, s0;
	s0 =	sadd.s32 $0x1400, s0  }
0x7: {  	s20 =	sshll.u32 s13, $0x12;
	s6 =	sshll.u32 s5, $0xD;
	_ =	strace $0x80000047  }
0x8: {  	s7 =	ssub.s32 $0x2, s5;
	s5 =	sshll.u32 s5, $0x11;
	s6 =	sor.u32 s6, s4  }
0x9: {  	s8 =	sshrl.u32 s7, $0x1;
	s4 =	sshrl.u32 s6, $0x3;
	s9 =	sshll.u32 s6, $0x4  }
0xa: {  	s7 =	ssub.s32 s7, s8;
	s21 =	sor.u32 $0x380, s6;
	s23 =	sor.u32 $0x300, s6  }
0xb: {  	s24 =	sor.u32 $0x280, s6;
	s6 =	sor.u32 $0x200, s6;
	s4 =	sadd.s32 s1, s4  }
0xc: {  	s15 =	sadd.s32 s9, s0;
	s12 =	smax.u32 s7, $0x1;
	s0 =	sadd.s32 s20, s0  }
0xd: {  	s22 =	sshrl.u32 s21, $0x3;
	s25 =	sshrl.u32 s24, $0x3;
	s26 =	sshrl.u32 s6, $0x3  }
0xe: {  	s20 =	simm.s32 $0x200;
	s21 =	simm.s32 $0x4200;
	s14 =	sadd.s32 $0x10, s4  }
0xf: {  	s24 =	simm.s32 $0x180;
	s16 =	sadd.s32 $0x20, s4;
	[dreg:$0x3] =	wrdreg s14  }
0x10: {  	s17 =	sadd.s32 $0x30, s4;
	s18 =	sadd.s32 $0x1E000, s15;
	[dreg:$0x4] =	wrdreg s16  }
0x11: {  	s19 =	sadd.s32 $0x1E800, s15;
	s10 =	sadd.s32 $0x1F000, s15;
	[dreg:$0x5] =	wrdreg s17  }
0x12: {  	s11 =	sadd.s32 $0x1F800, s15;
	s13 =	sadd.s32 s5, s0;
	[dreg:$0x6] =	wrdreg s18  }
0x13: {  	s0 =	sshrl.u32 s23, $0x3;
	s23 =	simm.s32 $0x8200;
	[dreg:$0x7] =	wrdreg s19  }
0x14: {  	s14 =	sadd.s32 s22, s1;
	s15 =	sadd.s32 s0, s1;
	s16 =	sadd.s32 s25, s1  }
0x15: {  	s17 =	sadd.s32 s26, s1;
	s18 =	simm.s32 $0x5;
	s19 =	simm.s32 $0x80  }
0x16: {  	s22 =	simm.s32 $0x100;
	s25 =	simm.s32 $0xC200;
	s26 =	simm.s32 $0x1  }
.LBB2_1:
0x17: {  	[tilespmem:s2], [sflag:$0x5] =	stream.linear.gather [hbm4b:s4+s2], $0x80, $0x38;
	[tilespmem:$0x10200] =	vst v63  }
0x18: {  	_ =	swait.ge [sflag:s18], $0x80  }
0x19: {  	[sflag:s18] =	ssyncset.done $0x0  }
0x1a: {  	[sflag:s18] =	ssyncadd.s32 $0xFFFFFF80  }
0x1b: {  	[tilespmem:s20], [sflag:$0x1] =	stream.indirect.gather [hbm4b:s3+s19], $0x80, s2, s19, $0xb8;
	[tilespmem:$0x10200] =	vst v63  }
0x1c: {  	s0 =	rddreg [dreg:$0x3]  }
0x1d: {  	[tilespmem:s19], [sflag:$0x5] =	stream.linear.gather [hbm4b:s0+s2], $0x80, $0x38;
	[tilespmem:$0x10200] =	vst v63  }
0x1e: {  	_ =	swait.ge [sflag:s18], $0x80  }
0x1f: {  	[sflag:s18] =	ssyncset.done $0x0  }
0x20: {  	[sflag:s18] =	ssyncadd.s32 $0xFFFFFF80  }
0x21: {  	[tilespmem:s21], [sflag:$0x2] =	stream.indirect.gather [hbm4b:s3+s19], $0x80, s19, s19, $0xb8;
	[tilespmem:$0x10200] =	vst v63  }
0x22: {  	s6 =	rddreg [dreg:$0x4]  }
0x23: {  	[tilespmem:s22], [sflag:$0x5] =	stream.linear.gather [hbm4b:s6+s2], $0x80, $0x38;
	[tilespmem:$0x10200] =	vst v63  }
0x24: {  	_ =	swait.ge [sflag:s18], $0x80  }
0x25: {  	[sflag:s18] =	ssyncset.done $0x0  }
0x26: {  	[sflag:s18] =	ssyncadd.s32 $0xFFFFFF80  }
0x27: {  	[tilespmem:s23], [sflag:$0x3] =	stream.indirect.gather [hbm4b:s3+s19], $0x80, s22, s19, $0xb8;
	[tilespmem:$0x10200] =	vst v63  }
0x28: {  	s7 =	rddreg [dreg:$0x5]  }
0x29: {  	[tilespmem:s24], [sflag:$0x5] =	stream.linear.gather [hbm4b:s7+s2], $0x80, $0x38;
	[tilespmem:$0x10200] =	vst v63  }
0x2a: {  	_ =	swait.ge [sflag:s18], $0x80  }
0x2b: {  	[sflag:s18] =	ssyncset.done $0x0  }
0x2c: {  	[sflag:s18] =	ssyncadd.s32 $0xFFFFFF80  }
0x2d: {  	[tilespmem:s25], [sflag:$0x4] =	stream.indirect.gather [hbm4b:s3+s19], $0x80, s24, s19, $0xb8;
	[tilespmem:$0x10200] =	vst v63  }
0x2e: {  	_ =	swait.ge [sflag:s26], $0x4000  }
0x2f: {  	[sflag:s26] =	ssyncset.done $0x0  }
0x30: {  	s8 =	sadd.s32 $0x0, s13;
	[sflag:s26] =	ssyncadd.s32 $0xFFFFC000  }
0x31: {  	[hbm4b:s8+s2] =	stream.linear.scatter [tilespmem:s20], [sflag:$0x5], $0x4000, $0x38;
	[tilespmem:$0x10200] =	vst v63  }
0x32: {  	_ =	swait.ge [sflag:s18], $0x4000  }
0x33: {  	[sflag:s18] =	ssyncset.done $0x0  }
0x34: {  	[sflag:s18] =	ssyncadd.s32 $0xFFFFC000  }
0x35: {  	[tilespmem:s2], [sflag:$0x5] =	stream.linear.gather [hbm4b:s17+s2], $0x80, $0x38;
	[tilespmem:$0x10200] =	vst v63  }
0x36: {  	_ =	swait.ge [sflag:s18], $0x80  }
0x37: {  	[sflag:s18] =	ssyncset.done $0x0  }
0x38: {  	[sflag:s18] =	ssyncadd.s32 $0xFFFFFF80  }
0x39: {  	[tilespmem:s20], [sflag:$0x1] =	stream.indirect.gather [hbm4b:s3+s19], $0x80, s2, s19, $0xb8;
	[tilespmem:$0x10200] =	vst v63  }
0x3a: {  	_ =	swait.ge [sflag:s28], $0x4000  }
0x3b: {  	[sflag:s28] =	ssyncset.done $0x0  }
0x3c: {  	s1 =	sadd.s32 $0x800, s8;
	[sflag:s28] =	ssyncadd.s32 $0xFFFFC000  }
0x3d: {  	[hbm4b:s1+s2] =	stream.linear.scatter [tilespmem:s21], [sflag:$0x5], $0x4000, $0x38;
	[tilespmem:$0x10200] =	vst v63  }
0x3e: {  	_ =	swait.ge [sflag:s18], $0x4000  }
0x3f: {  	[sflag:s18] =	ssyncset.done $0x0  }
0x40: {  	[sflag:s18] =	ssyncadd.s32 $0xFFFFC000  }
0x41: {  	[tilespmem:s19], [sflag:$0x5] =	stream.linear.gather [hbm4b:s16+s2], $0x80, $0x38;
	[tilespmem:$0x10200] =	vst v63  }
0x42: {  	_ =	swait.ge [sflag:s18], $0x80  }
0x43: {  	[sflag:s18] =	ssyncset.done $0x0  }
0x44: {  	[sflag:s18] =	ssyncadd.s32 $0xFFFFFF80  }
0x45: {  	[tilespmem:s21], [sflag:$0x2] =	stream.indirect.gather [hbm4b:s3+s19], $0x80, s19, s19, $0xb8;
	[tilespmem:$0x10200] =	vst v63  }
0x46: {  	_ =	swait.ge [sflag:s29], $0x4000  }
0x47: {  	[sflag:s29] =	ssyncset.done $0x0  }
0x48: {  	s9 =	sadd.s32 $0x1000, s8;
	[sflag:s29] =	ssyncadd.s32 $0xFFFFC000  }
0x49: {  	[hbm4b:s9+s2] =	stream.linear.scatter [tilespmem:s23], [sflag:$0x5], $0x4000, $0x38;
	[tilespmem:$0x10200] =	vst v63  }
0x4a: {  	_ =	swait.ge [sflag:s18], $0x4000  }
0x4b: {  	[sflag:s18] =	ssyncset.done $0x0  }
0x4c: {  	[sflag:s18] =	ssyncadd.s32 $0xFFFFC000  }
0x4d: {  	[tilespmem:s22], [sflag:$0x5] =	stream.linear.gather [hbm4b:s15+s2], $0x80, $0x38;
	[tilespmem:$0x10200] =	vst v63  }
0x4e: {  	_ =	swait.ge [sflag:s18], $0x80  }
0x4f: {  	[sflag:s18] =	ssyncset.done $0x0  }
0x50: {  	[sflag:s18] =	ssyncadd.s32 $0xFFFFFF80  }
0x51: {  	[tilespmem:s23], [sflag:$0x3] =	stream.indirect.gather [hbm4b:s3+s19], $0x80, s22, s19, $0xb8;
	[tilespmem:$0x10200] =	vst v63  }
0x52: {  	_ =	swait.ge [sflag:s30], $0x4000  }
0x53: {  	[sflag:s30] =	ssyncset.done $0x0  }
0x54: {  	s0 =	sadd.s32 $0x1800, s8;
	[sflag:s30] =	ssyncadd.s32 $0xFFFFC000  }
0x55: {  	[hbm4b:s0+s2] =	stream.linear.scatter [tilespmem:s25], [sflag:$0x5], $0x4000, $0x38;
	[tilespmem:$0x10200] =	vst v63  }
0x56: {  	_ =	swait.ge [sflag:s18], $0x4000  }
0x57: {  	[sflag:s18] =	ssyncset.done $0x0  }
0x58: {  	[sflag:s18] =	ssyncadd.s32 $0xFFFFC000  }
0x59: {  	[tilespmem:s24], [sflag:$0x5] =	stream.linear.gather [hbm4b:s14+s2], $0x80, $0x38;
	[tilespmem:$0x10200] =	vst v63  }
0x5a: {  	s5 =	sadd.s32 $0x40, s17;
	_ =	swait.ge [sflag:s18], $0x80  }
0x5b: {  	s6 =	sadd.s32 $0x40, s14;
	s7 =	sadd.s32 $0x40, s15;
	[sflag:s18] =	ssyncset.done $0x0  }
0x5c: {  	s1 =	sadd.s32 $0x40, s16;
	s0 =	simm.s32 $0x2000;
	[sflag:s18] =	ssyncadd.s32 $0xFFFFFF80  }
.LBB2_2:
0x5d: {  	[tilespmem:s25], [sflag:$0x4] =	stream.indirect.gather [hbm4b:s3+s19], $0x80, s24, s19, $0xb8;
	[tilespmem:$0x10200] =	vst v63  }
0x5e: {  	s8 =	smov.u32 s0  }
0x5f: {  	p0 =	sne.s32 s0, $0x1C000;
	s0 =	sadd.s32 $0x2000, s0;
	_ =	swait.ge [sflag:s26], $0x4000  }
0x60: {  	[sflag:s26] =	ssyncset.done $0x0  }
0x61: {  	s8 =	sadd.s32 s8, s13;
	[sflag:s26] =	ssyncadd.s32 $0xFFFFC000  }
0x62: {  	[hbm4b:s8+s2] =	stream.linear.scatter [tilespmem:s20], [sflag:$0x5], $0x4000, $0x38;
	[tilespmem:$0x10200] =	vst v63  }
0x63: {  	_ =	swait.ge [sflag:s18], $0x4000  }
0x64: {  	[sflag:s18] =	ssyncset.done $0x0  }
0x65: {  	[sflag:s18] =	ssyncadd.s32 $0xFFFFC000  }
0x66: {  	[tilespmem:s2], [sflag:$0x5] =	stream.linear.gather [hbm4b:s5+s2], $0x80, $0x38;
	[tilespmem:$0x10200] =	vst v63  }
0x67: {  	_ =	swait.ge [sflag:s18], $0x80  }
0x68: {  	[sflag:s18] =	ssyncset.done $0x0  }
0x69: {  	[sflag:s18] =	ssyncadd.s32 $0xFFFFFF80  }
0x6a: {  	[tilespmem:s20], [sflag:$0x1] =	stream.indirect.gather [hbm4b:s3+s19], $0x80, s2, s19, $0xb8;
	[tilespmem:$0x10200] =	vst v63  }
0x6b: {  	_ =	swait.ge [sflag:s28], $0x4000  }
0x6c: {  	[sflag:s28] =	ssyncset.done $0x0  }
0x6d: {  	s9 =	sadd.s32 $0x800, s8;
	[sflag:s28] =	ssyncadd.s32 $0xFFFFC000  }
0x6e: {  	[hbm4b:s9+s2] =	stream.linear.scatter [tilespmem:s21], [sflag:$0x5], $0x4000, $0x38;
	[tilespmem:$0x10200] =	vst v63  }
0x6f: {  	_ =	swait.ge [sflag:s18], $0x4000  }
0x70: {  	[sflag:s18] =	ssyncset.done $0x0  }
0x71: {  	[sflag:s18] =	ssyncadd.s32 $0xFFFFC000  }
0x72: {  	[tilespmem:s19], [sflag:$0x5] =	stream.linear.gather [hbm4b:s1+s2], $0x80, $0x38;
	[tilespmem:$0x10200] =	vst v63  }
0x73: {  	_ =	swait.ge [sflag:s18], $0x80  }
0x74: {  	[sflag:s18] =	ssyncset.done $0x0  }
0x75: {  	[sflag:s18] =	ssyncadd.s32 $0xFFFFFF80  }
0x76: {  	[tilespmem:s21], [sflag:$0x2] =	stream.indirect.gather [hbm4b:s3+s19], $0x80, s19, s19, $0xb8;
	[tilespmem:$0x10200] =	vst v63  }
0x77: {  	_ =	swait.ge [sflag:s29], $0x4000  }
0x78: {  	[sflag:s29] =	ssyncset.done $0x0  }
0x79: {  	s9 =	sadd.s32 $0x1000, s8;
	[sflag:s29] =	ssyncadd.s32 $0xFFFFC000  }
0x7a: {  	[hbm4b:s9+s2] =	stream.linear.scatter [tilespmem:s23], [sflag:$0x5], $0x4000, $0x38;
	[tilespmem:$0x10200] =	vst v63  }
0x7b: {  	_ =	swait.ge [sflag:s18], $0x4000  }
0x7c: {  	[sflag:s18] =	ssyncset.done $0x0  }
0x7d: {  	[sflag:s18] =	ssyncadd.s32 $0xFFFFC000  }
0x7e: {  	[tilespmem:s22], [sflag:$0x5] =	stream.linear.gather [hbm4b:s7+s2], $0x80, $0x38;
	[tilespmem:$0x10200] =	vst v63  }
0x7f: {  	_ =	swait.ge [sflag:s18], $0x80  }
0x80: {  	[sflag:s18] =	ssyncset.done $0x0  }
0x81: {  	[sflag:s18] =	ssyncadd.s32 $0xFFFFFF80  }
0x82: {  	[tilespmem:s23], [sflag:$0x3] =	stream.indirect.gather [hbm4b:s3+s19], $0x80, s22, s19, $0xb8;
	[tilespmem:$0x10200] =	vst v63  }
0x83: {  	_ =	swait.ge [sflag:s30], $0x4000  }
0x84: {  	[sflag:s30] =	ssyncset.done $0x0  }
0x85: {  	s8 =	sadd.s32 $0x1800, s8;
	[sflag:s30] =	ssyncadd.s32 $0xFFFFC000  }
0x86: {  	[hbm4b:s8+s2] =	stream.linear.scatter [tilespmem:s25], [sflag:$0x5], $0x4000, $0x38;
	[tilespmem:$0x10200] =	vst v63  }
0x87: {  	_ =	swait.ge [sflag:s18], $0x4000  }
0x88: {  	[sflag:s18] =	ssyncset.done $0x0  }
.Ltmp0:
0x89: {  	[sflag:s18] =	ssyncadd.s32 $0xFFFFC000;
	(pc) =	sbr.rel @p0 .LBB2_2-.Ltmp0, $4  }
0x8a: {  	[tilespmem:s24], [sflag:$0x5] =	stream.linear.gather [hbm4b:s6+s2], $0x80, $0x38;
	[tilespmem:$0x10200] =	vst v63  }
0x8b: {  	_ =	swait.ge [sflag:s18], $0x80  }
0x8c: {  	s5 =	sadd.s32 $0x40, s5;
	s1 =	sadd.s32 $0x40, s1;
	[sflag:s18] =	ssyncset.done $0x0  }
0x8d: {  	s7 =	sadd.s32 $0x40, s7;
	s6 =	sadd.s32 $0x40, s6;
	[sflag:s18] =	ssyncadd.s32 $0xFFFFFF80  }
0x8e: {  	[tilespmem:s25], [sflag:$0x4] =	stream.indirect.gather [hbm4b:s3+s19], $0x80, s24, s19, $0xb8;
	[tilespmem:$0x10200] =	vst v63  }
0x8f: {  	_ =	swait.ge [sflag:s26], $0x4000  }
0x90: {  	[sflag:s26] =	ssyncset.done $0x0  }
0x91: {  	s0 =	rddreg [dreg:$0x6];
	[sflag:s26] =	ssyncadd.s32 $0xFFFFC000  }
0x92: {  	[hbm4b:s0+s2] =	stream.linear.scatter [tilespmem:s20], [sflag:$0x5], $0x4000, $0x38;
	[tilespmem:$0x10200] =	vst v63  }
0x93: {  	_ =	swait.ge [sflag:s18], $0x4000  }
0x94: {  	[sflag:s18] =	ssyncset.done $0x0  }
0x95: {  	[sflag:s18] =	ssyncadd.s32 $0xFFFFC000  }
0x96: {  	_ =	swait.ge [sflag:s28], $0x4000  }
0x97: {  	[sflag:s28] =	ssyncset.done $0x0  }
0x98: {  	s9 =	rddreg [dreg:$0x7];
	[sflag:s28] =	ssyncadd.s32 $0xFFFFC000  }
0x99: {  	[hbm4b:s9+s2] =	stream.linear.scatter [tilespmem:s21], [sflag:$0x5], $0x4000, $0x38;
	[tilespmem:$0x10200] =	vst v63  }
0x9a: {  	_ =	swait.ge [sflag:s18], $0x4000  }
0x9b: {  	[sflag:s18] =	ssyncset.done $0x0  }
0x9c: {  	[sflag:s18] =	ssyncadd.s32 $0xFFFFC000  }
0x9d: {  	_ =	swait.ge [sflag:s29], $0x4000  }
0x9e: {  	[sflag:s29] =	ssyncset.done $0x0  }
0x9f: {  	[sflag:s29] =	ssyncadd.s32 $0xFFFFC000  }
0xa0: {  	[hbm4b:s10+s2] =	stream.linear.scatter [tilespmem:s23], [sflag:$0x5], $0x4000, $0x38;
	[tilespmem:$0x10200] =	vst v63  }
0xa1: {  	_ =	swait.ge [sflag:s18], $0x4000  }
0xa2: {  	[sflag:s18] =	ssyncset.done $0x0  }
0xa3: {  	[sflag:s18] =	ssyncadd.s32 $0xFFFFC000  }
0xa4: {  	s31 =	sadd.s32 $0x1, s31;
	_ =	swait.ge [sflag:s30], $0x4000  }
0xa5: {  	p0 =	sne.s32 s31, s12;
	[sflag:s30] =	ssyncset.done $0x0  }
.Ltmp1:
0xa6: {  	[sflag:s30] =	ssyncadd.s32 $0xFFFFC000;
	(pc) =	sbr.rel @p0 .LBB2_1-.Ltmp1, $4  }
0xa7: {  	[hbm4b:s11+s2] =	stream.linear.scatter [tilespmem:s25], [sflag:$0x5], $0x4000, $0x38;
	[tilespmem:$0x10200] =	vst v63  }
0xa8: {  	_ =	swait.ge [sflag:s18], $0x4000  }
0xa9: {  	[sflag:s18] =	ssyncset.done $0x0  }
0xaa: {  	[sflag:s18] =	ssyncadd.s32 $0xFFFFC000  }
0xab: {  	_ =	sfence.sel $0x180000  }
0xac: {  	[bflag:$0x0] =	sbarrier.arrive $0xFFFF  }
0xad: {  	_ =	strace $0x90000047  }
0xae: {  	s0 =	stileid.u32;
	[bflag:$0x2] =	sbarrier.arrive $0xFFFF  }
0xaf: {  	p0 =	sne.s32 s0, $0x0;
	s0 =	rddreg [dreg:$0x2]  }
0xb0: {  	s0 =	sadd.s32 @!p0 $0x100000, s0  }
0xb1: {  	[sflag:s0] =	ssyncadd.tile.s32 @!p0 $0x1;
	_ =	shalt  }
.Lfunc_end2:
_tile_overlayer_lowered:
.L_overlay_start_2:
0xb2: {  	(tag) =	ssettag $0x2  }
0xb3: {  	s0 =	rddreg [dreg:$0x0];
	s2 =	stileid.u32  }
0xb4: {  	s1 =	rddreg [dreg:$0x1];
	p0 =	sne.s32 s2, $0x0  }
0xb5: {  	s3 =	rddreg [dreg:$0x2];
	[bflag:$0x3] =	sbarrier.arrive $0xFFFF;
	s2 =	simm.s32 @!p0 $0x1C05  }
0xb6: {  	[timem:s3], [sflag:s2] =	dma.local @!p0 [hbm:s0], s1  }
0xb7: {  	s0 =	simm.s32 @!p0 $0x5  }
0xb8: {  	_ =	swait.ge @!p0 [sflag:s0], s1  }
0xb9: {  	s1 =	ssub.s32 @!p0 $0x0, s1;
	[sflag:s0] =	ssyncset.done @!p0 $0x0  }
0xba: {  	[sflag:s0] =	ssyncadd.s32 @!p0 s1  }
0xbb: {  	[bflag:$0x3] =	sbarrier.arrive $0xFFFF  }
0xbc: {  	_ =	shalt  }

// kernel: sparse-core-data-format-call.cloned.1.call-start
scs
called_computation_lowered:
.L_overlay_start_0:
0x0: {  	s2 =	sld [smem:$0x3FD9]  }
0x1: {  	s3 =	sld [smem:$0x3FFE];
	_ =	sdelay $0x1  }
0x2: {  	s1 =	srdreg.scid  }
0x3: {  	s0 =	sand.u32 $0x1, s1  }
0x4: {  	s18 =	sshll.u32 s0, $0xA;
	s2 =	sadd.s32 s3, s2  }
0x5: {  	s2 =	sadd.s32 s2, s18  }
0x6: {  	[smem:$0x3FC1] =	sst s2  }
0x7: {  	_ = 	snop  }
0x8: {  	s2 =	sld [smem:$0x3FD0];
	(tm) =	ssettm $0x1  }
0x9: {  	s19 =	sld [smem:$0x3FFB];
	_ =	sdelay $0x3  }
0xa: {  	_ =	strace s19  }
0xb: {  	s3 =	sld [smem:$0x3FFC];
	_ =	sdelay $0x3  }
0xc: {  	_ =	strace s3  }
0xd: {  	s3 =	sld [smem:$0x3FFD];
	_ =	sdelay $0x3  }
0xe: {  	_ =	strace s3  }
0xf: {  	_ =	strace $0x8FFFFFFF  }
0x10: {  	s20 =	sld [smem:$0x3FDB];
	_ =	sdelay $0x1  }
0x11: {  	s4 =	simm.s32 $_scs_section_size  }
0x12: {  	s5 =	simm.s32 $_size__tile_overlayer_lowered;
	s6 =	simm.s32 $_tile_overlayer_lowered  }
0x13: {  	s23 =	simm.s32 $0x1BFF;
	s22 =	sshll.u32 s6, $0x1;
	s3 =	sadd.s32 s4, s20  }
0x14: {  	s7 =	simm.s32 $0x0;
	s21 =	sshll.u32 s5, $0x1;
	s5 =	sadd.s32 s22, s3  }
0x15: {  	[timem:s7], [sflag:s23] =	dma.local [hbm:s5], s21  }
0x16: {  	_ =	swait.ge [sflag:s23], s21  }
0x17: {  	s4 =	ssub.s32 $0x0, s21;
	[sflag:s23] =	ssyncset.done $0x0  }
0x18: {  	[sflag:s23] =	ssyncadd.s32 s4;
	_ =	sdelay $0x1  }
0x19: {  	s24 =	simm.s32 $0x1B8B  }
0x1a: {  	_ =	swait.ge [sflag:s24], $0x1  }
0x1b: {  	[sflag:s24] =	ssyncset.done $0x0  }
0x1c: {  	s26 =	simm.s32 $0x1B8E;
	s25 =	sld [smem:$0x3FFE];
	[sflag:s24] =	ssyncadd.s32 $0xFFFFFFFF  }
0x1d: {  	s27 =	simm.s32 $execute0_lowered;
	[smem:$0x3FD2] =	sst s26  }
0x1e: {  	s5 =	sshll.u32 s27, $0x1;
	_ =	strace $0x80000049;
	[dreg:$0x1] =	wrdreg $0xFFFFFFFF  }
0x1f: {  	s28 =	simm.s32 $_size_execute0_lowered;
	s3 =	sadd.s32 s3, s5;
	[dreg:$0x0] =	wrdreg $0x0  }
0x20: {  	s5 =	sshll.u32 s28, $0x1;
	[dreg:$0x2] =	wrdreg s3  }
0x21: {  	[dreg:$0x3] =	wrdreg s5  }
0x22: {  	[dreg:$0x4] =	wrdreg $0xC0  }
0x23: {  	_ =	task [dreg:s7], $0x5FFFF  }
0x24: {  	[dreg:$0x1] =	wrdreg $0xFFFFFFFF  }
0x25: {  	[dreg:$0x0] =	wrdreg $0x60  }
0x26: {  	[dreg:$0x2] =	wrdreg s25  }
0x27: {  	[dreg:$0x3] =	wrdreg s2  }
0x28: {  	[dreg:$0x4] =	wrdreg $0x9  }
0x29: {  	_ =	task.clear_ibuf [dreg:s7], $0x5FFFF;
	_ =	strace $0x90000049  }
0x2a: {  	s29 =	simm.s32 $0x9;
	_ =	strace $0x8000004B  }
0x2b: {  	_ =	swait.ge [sflag:s29], $0x1  }
0x2c: {  	[sflag:s29] =	ssyncadd.s32 $0xFFFFFFFF  }
0x2d: {  	_ =	strace $0x9000004B  }
0x2e: {  	_ =	sfence  }
0x2f: {  	s30 =	sld [smem:$0x0];
	_ =	sdelay $0x2  }
0x30: {  	s31 =	sshll.u32 s1, $0xD;
	s1 =	sshrl.u32 s1, $0x2  }
0x31: {  	s3 =	sand.u32 $0x4000, s31;
	s1 =	sadd.s32 s1, s30  }
0x32: {  	s0 =	sor.u32 s3, s0;
	s1 =	sshll.u32 s1, $0x11  }
0x33: {  	s0 =	sor.u32 s1, s0  }
0x34: {  	s0 =	sadd.s32 $0x8F2B, s0  }
0x35: {  	[sflag:s0] =	ssyncadd.remote.s32 $0x1  }
0x36: {  	_ =	sfence.sel $0xFFFF  }
0x37: {  	[dreg:$0x0] =	wrdreg $0xFFFFFFFF;
	(pc) =	sbr.abs _section_cstart, $3  }
0x38: {  	[dreg:$0x1] =	wrdreg $0xFFFFFFFF  }
0x39: {  	_ =	task.clear_ibuf [dreg:s7], $0x2FFFF;
	_ =	strace $0x9FFFFFFF  }
0x3a: {  	(tm) =	ssettm $0x7FFFFFFF  }
0x3b: {  	_ =	shalt  }
tec
execute0_lowered:
.L_overlay_start_1:
0x0: {  	(tag) =	ssettag $0x1  }
0x1: {  	s0 =	srdreg.scid;
	s5 =	rddreg [dreg:$0x0]  }
0x2: {  	s3 =	rddreg [dreg:$0x1];
	s1 =	sshll.u32 s0, $0x4  }
0x3: {  	s7 =	simm.s32 $0x1;
	s0 =	stileid.u32;
	s1 =	sand.u32 $0x10, s1  }
0x4: {  	s8 =	simm.s32 $0x2;
	s15 =	simm.s32 $0x0;
	s1 =	sor.u32 s0, s1  }
0x5: {  	s14 =	simm.s32 $0x0;
	s9 =	simm.s32 $0x0;
	s2 =	sshll.u32 s1, $0x7  }
0x6: {  	s10 =	simm.s32 $0x0;
	s11 =	simm.s32 $0x0;
	s6 =	ssub.s32 $0x4000, s2  }
0x7: {  	s13 =	simm.s32 $0x0;
	s5 =	sadd.s32 $0x401400, s5;
	s4 =	sand.u32 $0xF80, s6  }
.Ltmp0:
0x8: {  	s1 =	rddreg [dreg:$0x2];
	p0 =	sne.s32 s4, $0x0;
	(pc) =	sbr.rel .LBB1_1-.Ltmp0, $4  }
0x9: {  	_ =	strace $0x8000004A;
	s6 =	sshrl.u32 s6, $0xC;
	s7 =	simm.s32 @!p0 $0x0  }
0xa: {  	s12 =	smov.u32 s2;
	s4 =	simm.s32 $0x1;
	s6 =	sadd.s32 s7, s6  }
0xb: {  	[sflag:s4] =	ssyncpa.u1 $0x0;
	p0 =	por $0x0, $0x0;
	s6 =	sshll.u32 s6, $0x4  }
0xc: {  	[sflag:s8] =	ssyncpa.u1 $0x0;
	s8 =	simm.s32 $0x20000;
	s7 =	sor.u32 $0x1, s6  }
.LBB1_4:
0xd: {  	s20 =	sshra.s32 s20, $0x2;
	s28 =	sshll.u32 s10, $0x3;
	p1 =	sgt.s32 s9, $0xF  }
0xe: {  	s21 =	smov.u32 s9;
	s23 =	sshra.s32 s9, $0x1F;
	s24 =	smov.u32 s10  }
0xf: {  	v5 =	vld [tilespmem:s17+$0xFFFFFFD0];
	[tilespmem:s18+$0x2040 ss:$0x81] =	vst.msk $0xffff, v4;
	s25 =	sshra.s32 s10, $0x1F;
	s26 =	sand.u32 $0x78, s10;
	s19 =	sadd.s32 s20, s19  }
0x10: {  	v58 =	vld [tilespmem:s17+$0xFFFFFFE0];
	[tilespmem:s18+$0x2850 ss:$0x81] =	vst.msk $0xffff, v3;
	s22 =	sshrl.u32 s28, $0xE;
	s21 =	simm.s32 @!p1 $0xF;
	s23 =	sand.u32 s23, s9  }
0x11: {  	v59 =	vld [tilespmem:s17+$0xFFFFFFF0];
	[tilespmem:s18+$0x3060 ss:$0x81] =	vst.msk $0xffff, v2;
	p1 =	sgt.s32 s10, $0x3F80;
	s29 =	sand.u32 s25, s10;
	s20 =	sand.u32 $0x3C00, s28  }
0x12: {  	v60 =	vld [tilespmem:s17+$0x0];
	[tilespmem:s18+$0x0 ss:$0x81] =	vst.msk $0xffff, v0;
	s28 =	smul.u32 $0x30000, s9;
	s21 =	ssub.s32 s21, s23;
	s24 =	simm.s32 @!p1 $0x3F80  }
0x13: {  	v61 =	vld [tilespmem:s17+$0x10];
	s30 =	smulhi.u32 $0x2AAAAAB, s22;
	[tilespmem:s19+$0x3870 ss:$0x81] =	vst.msk $0xffff, v1;
	s20 =	sor.u32 s26, s20;
	s31 =	ssub.s32 $0x10, s21  }
0x14: {  	v62 =	vld [tilespmem:s17+$0x20];
	s23 =	ssub.s32 s24, s29;
	s21 =	sadd.s32 $0xFFFFFFF1, s21;
	s25 =	smul.u32 $0x60, s31;
	[tilespmem:s19+$0x810 ss:$0x81] =	vst.msk $0xffff, v5  }
0x15: {  	v63 =	vld [tilespmem:s17+$0xFFFFFFC0];
	s18 =	smul.u32 $0x60, s30;
	p1 =	sgt.s32 s21, $0x0;
	s27 =	sadd.s32 $0xFFFFC080, s23;
	[tilespmem:s19+$0x1020 ss:$0x81] =	vst.msk $0xffff, v58  }
0x16: {  	s17 =	ssub.s32 $0x4000, s23;
	[tilespmem:s19+$0x1830 ss:$0x81] =	vst.msk $0xffff, v59;
	s25 =	simm.s32 @p1 $0x0;
	p1 =	sgt.s32 s27, $0x7F  }
0x17: {  	s29 =	sand.u32 $0x7, s10;
	[tilespmem:s19+$0x2040 ss:$0x81] =	vst.msk $0xffff, v60;
	s18 =	ssub.s32 s22, s18;
	s17 =	simm.s32 @p1 $0x0  }
0x18: {  	s21 =	sadd.s32 s3, s28;
	[tilespmem:s19+$0x2850 ss:$0x81] =	vst.msk $0xffff, v61;
	s18 =	sshll.u32 s18, $0xB;
	s17 =	smul.u32 s17, s25  }
0x19: {  	s20 =	sshrl.u32 s20, $0x3;
	s30 =	sshll.u32 s29, $0x12;
	[tilespmem:s19+$0x3060 ss:$0x81] =	vst.msk $0xffff, v62;
	s18 =	sadd.s32 s18, s21  }
0x1a: {  	[tilespmem:s19+$0x0 ss:$0x81] =	vst.msk $0xffff, v63;
	s31 =	sor.u32 $0x400, s30;
	s18 =	sadd.s32 s20, s18;
	s17 =	sand.u32 $0x3FFFFFE0, s17  }
0x1b: {  	[hbm4b:s18+s31] =	stream.strided.scatter [tilespmem:s16], [sflag:$0x2], s17, s8, s31, $0x20;
	[tilespmem:$0x10100] =	vst v63  }
.LBB1_5:
0x1c: {  	p1 =	slt.u32 s13, $0x2  }
0x1d: {  	s17 =	smov.u32 s15;
	p2 =	sgt.s32 @!p1 s15, $0xF;
	s16 =	sshra.s32 @!p1 s15, $0x1F  }
0x1e: {  	p3 =	sgt.s32 @!p1 s14, $0x3F80;
	s18 =	sshra.s32 @!p1 s14, $0x1F;
	p2 =	por !p2, p1  }
0x1f: {  	s15 =	sand.u32 @!p1 s16, s15;
	p3 =	por !p3, p1;
	s16 =	smov.u32 s14  }
0x20: {  	s14 =	sand.u32 @!p1 s18, s14;
	s17 =	simm.s32 @p2 $0xF;
	s16 =	simm.s32 @p3 $0x3F80  }
0x21: {  	s18 =	smov.u32 s12;
	s15 =	ssub.s32 @!p1 s17, s15;
	s14 =	ssub.s32 @!p1 s16, s14  }
0x22: {  	s16 =	sadd.s32 @!p1 $0xFFFFFFF1, s15;
	s15 =	ssub.s32 @!p1 $0x10, s15;
	s17 =	sadd.s32 @!p1 $0xFFFFC080, s14  }
0x23: {  	p2 =	sgt.s32 @!p1 s16, $0x0;
	s15 =	smul.u32 @!p1 $0x60, s15;
	p3 =	sgt.s32 @!p1 s17, $0x7F  }
0x24: {  	s14 =	ssub.s32 @!p1 $0x4000, s14;
	p2 =	por !p2, p1;
	p3 =	por !p3, p1  }
0x25: {  	s16 =	sadd.s32 $0x1, s11;
	s15 =	simm.s32 @!p2 $0x0;
	s14 =	simm.s32 @!p3 $0x0  }
0x26: {  	p2 =	sgt.s32 s16, $0xF;
	s14 =	smul.u32 @!p1 s14, s15;
	s15 =	sadd.s32 $0x1000, s12  }
0x27: {  	s18 =	smov.u32 @p2 s15  }
0x28: {  	s16 =	simm.s32 @p2 $0x0;
	p2 =	sgt.s32 s18, $0x3FFF  }
0x29: {  	s18 =	smov.u32 @p2 s2;
	p2 =	sne.s32 s13, s7  }
.Ltmp1:
0x2a: {  	p0 =	por !p0, !p0;
	s17 =	simm.s32 @!p1 $0x2;
	(pc) =	sbr.rel @!p2 .LBB1_6-.Ltmp1, $4  }
0x2b: {  	s15 =	smov.u32 s9;
	s9 =	smov.u32 s11;
	s14 =	sand.u32 @!p1 $0x3FFFFFE0, s14  }
0x2c: {  	s11 =	smov.u32 s16;
	_ =	swait.ge @!p1 [sflag:s17], s14;
	s19 =	ssub.s32 @!p1 $0x0, s14  }
0x2d: {  	s14 =	smov.u32 s10;
	s13 =	sadd.s32 $0x1, s13;
	[sflag:s17] =	ssyncset.done @!p1 $0x0  }
0x2e: {  	s10 =	smov.u32 s12;
	s12 =	smov.u32 s18;
	[sflag:s17] =	ssyncadd.s32 @!p1 s19  }
.LBB1_1:
0x2f: {  	p1 =	sge.u32 s13, s6  }
0x30: {  	s31 =	sadd.s32 $0xFFFFFFFF, s13;
	s16 =	sxor.u32 @!p1 $0xFFFFFFFF, s13  }
0x31: {  	s17 =	sshll.u32 @!p1 s12, $0x8;
	s18 =	sshll.u32 @!p1 s11, $0x4;
	s19 =	simm.s32 @!p1 $0x800  }
0x32: {  	s16 =	sshll.u32 @!p1 s16, $0xE;
	s18 =	sand.u32 @!p1 $0xF0, s18;
	s17 =	sadd.s32 @!p1 s5, s17  }
0x33: {  	s16 =	sand.u32 @!p1 $0x4000, s16;
	s17 =	sadd.s32 @!p1 s18, s17;
	s18 =	simm.s32 @!p1 $0x80  }
0x34: {  	[tilespmem:s16], [sflag:$0x1] =	stream.strided.gather @!p1 [hbm4b:s17+s18], $0x4000, s19, s18, $0x38;
	[tilespmem:$0x10100] =	vst v63  }
0x35: {  	p1 =	sge.u32 s31, s6  }
.Ltmp2:
0x36: {  	_ = 	snop;
	(pc) =	sbr.rel @p1 .LBB1_5-.Ltmp2, $1  }
0x37: {  	_ =	sdelay $0x3  }
0x38: {  	s16 =	simm.s32 $0x1  }
0x39: {  	_ =	swait.ge [sflag:s4], $0x4000;
	s16 =	simm.s32 @!p0 $0x0  }
0x3a: {  	[sflag:s4] =	ssyncset.done $0x0;
	s17 =	sshll.u32 s16, $0xE  }
0x3b: {  	[sflag:s4] =	ssyncadd.s32 $0xFFFFC000;
	s17 =	sor.u32 $0x40, s17  }
0x3c: {  	s16 =	smul.u32 $0x10200, s16;
	v0 =	vld [tilespmem:s17+$0x30]  }
0x3d: {  	v1 =	vld [tilespmem:s17+$0xFFFFFFD0]  }
0x3e: {  	s16 =	sshrl.u32 s16, $0x2;
	v5 =	vld [tilespmem:s17+$0xFFFFFFE0]  }
0x3f: {  	v6 =	vld [tilespmem:s17+$0xFFFFFFF0];
	s19 =	sor.u32 $0x8000, s16  }
0x40: {  	s31 =	sand.u32 $0x1, s13;
	v4 =	vld [tilespmem:s17+$0x0];
	s18 =	sadd.s32 $0x0, s19  }
0x41: {  	v3 =	vld [tilespmem:s17+$0x10];
	s16 =	smul.u32 $0x10200, s31;
	[tilespmem:s18+$0x3870 ss:$0x81] =	vst.msk $0xffff, v0  }
0x42: {  	v2 =	vld [tilespmem:s17+$0x20];
	[tilespmem:s18+$0x810 ss:$0x81] =	vst.msk $0xffff, v1  }
0x43: {  	s16 =	sshrl.u32 s16, $0x2;
	v0 =	vld [tilespmem:s17+$0xFFFFFFC0];
	[tilespmem:s18+$0x1020 ss:$0x81] =	vst.msk $0xffff, v5;
	s17 =	sadd.s32 $0x80, s17  }
0x44: {  	s20 =	simm.s32 $0x4;
	s21 =	simm.s32 $0x8;
	s16 =	sor.u32 $0x8000, s16;
	[tilespmem:s18+$0x1830 ss:$0x81] =	vst.msk $0xffff, v6;
	v1 =	vld [tilespmem:s17+$0x30]  }
.LBB1_3:
0x45: {  	p1 =	sne.s32 s21, $0x1FC;
	v5 =	vld [tilespmem:s17+$0xFFFFFFD0];
	[tilespmem:s18+$0x2040 ss:$0x81] =	vst.msk $0xffff, v4  }
0x46: {  	v6 =	vld [tilespmem:s17+$0xFFFFFFE0];
	[tilespmem:s18+$0x2850 ss:$0x81] =	vst.msk $0xffff, v3  }
0x47: {  	s22 =	sshra.s32 s20, $0x2;
	s20 =	smov.u32 s21;
	v7 =	vld [tilespmem:s17+$0xFFFFFFF0];
	[tilespmem:s18+$0x3060 ss:$0x81] =	vst.msk $0xffff, v2  }
.Ltmp3:
0x48: {  	v4 =	vld [tilespmem:s17+$0x0];
	[tilespmem:s18+$0x0 ss:$0x81] =	vst.msk $0xffff, v0;
	s18 =	sadd.s32 s22, s19;
	(pc) =	sbr.rel @p1 .LBB1_3-.Ltmp3, $4  }
0x49: {  	v3 =	vld [tilespmem:s17+$0x10];
	[tilespmem:s18+$0x3870 ss:$0x81] =	vst.msk $0xffff, v1  }
0x4a: {  	[tilespmem:s18+$0x810 ss:$0x81] =	vst.msk $0xffff, v5;
	v2 =	vld [tilespmem:s17+$0x20]  }
0x4b: {  	v0 =	vld [tilespmem:s17+$0xFFFFFFC0];
	[tilespmem:s18+$0x1020 ss:$0x81] =	vst.msk $0xffff, v6;
	s17 =	sadd.s32 $0x80, s17  }
0x4c: {  	s21 =	sadd.s32 $0x4, s21;
	v1 =	vld [tilespmem:s17+$0x30];
	[tilespmem:s18+$0x1830 ss:$0x81] =	vst.msk $0xffff, v7  }
.Ltmp4:
0x4d: {  	_ = 	snop;
	(pc) =	sbr.rel .LBB1_4-.Ltmp4, $1  }
0x4e: {  	_ =	sdelay $0x3  }
.LBB1_6:
0x4f: {  	_ =	sfence.sel $0x180000  }
0x50: {  	s2 =	simm.s32 $0x1;
	[bflag:$0x0] =	sbarrier.arrive $0xFFFF  }
0x51: {  	s31 =	simm.s32 $0x2;
	[sflag:s2] =	ssyncpa.u1 $0x1  }
0x52: {  	[sflag:s31] =	ssyncpa.u1 $0x1  }
0x53: {  	p0 =	sne.s32 s0, $0x0;
	_ =	strace $0x9000004A  }
0x54: {  	s0 =	sadd.s32 @!p0 $0x100000, s1;
	[bflag:$0x2] =	sbarrier.arrive $0xFFFF  }
0x55: {  	[sflag:s0] =	ssyncadd.tile.s32 @!p0 $0x1;
	_ =	shalt  }
.Lfunc_end1:
_tile_overlayer_lowered:
.L_overlay_start_2:
0x56: {  	(tag) =	ssettag $0x2  }
0x57: {  	s0 =	rddreg [dreg:$0x0];
	s2 =	stileid.u32  }
0x58: {  	s1 =	rddreg [dreg:$0x1];
	p0 =	sne.s32 s2, $0x0  }
0x59: {  	s3 =	rddreg [dreg:$0x2];
	[bflag:$0x3] =	sbarrier.arrive $0xFFFF;
	s2 =	simm.s32 @!p0 $0x1C01  }
0x5a: {  	[timem:s3], [sflag:s2] =	dma.local @!p0 [hbm:s0], s1  }
0x5b: {  	s0 =	simm.s32 @!p0 $0x1  }
0x5c: {  	_ =	swait.ge @!p0 [sflag:s0], s1  }
0x5d: {  	s1 =	ssub.s32 @!p0 $0x0, s1;
	[sflag:s0] =	ssyncset.done @!p0 $0x0  }
0x5e: {  	[sflag:s0] =	ssyncadd.s32 @!p0 s1  }
0x5f: {  	[bflag:$0x3] =	sbarrier.arrive $0xFFFF  }
0x60: {  	_ =	shalt  }

</sc_bundles>
